<compile_context>
chip_gen: v7x
topology: tpu7x:2x2x1
jax: 0.10.2.dev20260603
libtpu: 0.0.44.dev20260713+nightly
codegen_flags: <defaults>
</compile_context>

<pallas_src>
import functools

import jax
import jax.numpy as jnp
from jax import lax
from jax.experimental import pallas as pl
from jax.experimental.pallas import tpu as pltpu
from jax.experimental.pallas import tpu_sc as plsc

N_NODES = 10000
N_EDGES = 320000
D = 128

NS = 16
CHUNK = 128
CHUNKS_PW = 158
E_PAD = NS * CHUNKS_PW * CHUNK
N_PAD = 10112
ROWS_PER_SUB = N_PAD // NS
DH = 64
DEGW = 16


def _make_sc_agg(with_deg):
  mesh = plsc.VectorSubcoreMesh(core_axis_name="c", subcore_axis_name="s")

  scratch = (
      [pltpu.VMEM((CHUNKS_PW + 1, CHUNK), jnp.int32)] * 2
      + [pltpu.VMEM((CHUNK, DH), jnp.float32)] * 2
      + [pltpu.VMEM_SHARED((N_PAD, DH), jnp.float32)]
      + [pltpu.SemaphoreType.DMA] * 2
  )
  out_type = [jax.ShapeDtypeStruct((2, N_PAD, DH), jnp.float32)]
  if with_deg:
    scratch += [
        pltpu.VMEM((CHUNK, DEGW), jnp.float32),
        pltpu.VMEM_SHARED((N_PAD, DEGW), jnp.float32),
    ]
    out_type += [jax.ShapeDtypeStruct((2, N_PAD, DEGW), jnp.float32)]

  @functools.partial(
      pl.kernel,
      mesh=mesh,
      out_type=out_type,
      scratch_types=scratch,
      compiler_params=pltpu.CompilerParams(use_tc_tiling_on_sc=False),
  )
  def sc_agg(*args):
    if with_deg:
      (zeros_hbm, zd_hbm, tl_hbm, tr_hbm, src_hbm, dst_hbm,
       out_hbm, dout_hbm,
       srcv, dstv, b0, b1, acc, s0, s1, ones, dacc) = args
    else:
      (zeros_hbm, tl_hbm, tr_hbm, src_hbm, dst_hbm, out_hbm,
       srcv, dstv, b0, b1, acc, s0, s1) = args
    bufs = (b0, b1)
    gsem = (s0, s1)
    cid = lax.axis_index("c")
    sid = lax.axis_index("s")

    pltpu.sync_copy(src_hbm.at[sid], srcv.at[pl.ds(0, CHUNKS_PW)])
    pltpu.sync_copy(dst_hbm.at[sid], dstv.at[pl.ds(0, CHUNKS_PW)])
    pltpu.sync_copy(src_hbm.at[sid, pl.ds(0, 1)],
                    srcv.at[pl.ds(CHUNKS_PW, 1)])

    row0 = sid * ROWS_PER_SUB
    pltpu.sync_copy(zeros_hbm.at[pl.ds(row0, ROWS_PER_SUB)],
                    acc.at[pl.ds(row0, ROWS_PER_SUB)])
    if with_deg:
      pltpu.sync_copy(zd_hbm.at[pl.ds(row0, ROWS_PER_SUB)],
                      dacc.at[pl.ds(row0, ROWS_PER_SUB)])

      one16 = jnp.ones((16,), jnp.float32)

      def fill(i, _):
        ones[i, :] = one16
        return 0

      lax.fori_loop(0, CHUNK, fill, 0)

    plsc.subcore_barrier()

    def start_gather(g, b):
      @pl.when(cid == 0)
      def _():
        pltpu.async_copy(tl_hbm.at[srcv.at[g]], bufs[b], gsem[b])

      @pl.when(cid == 1)
      def _():
        pltpu.async_copy(tr_hbm.at[srcv.at[g]], bufs[b], gsem[b])

    def wait_gather(b):
      pltpu.make_async_copy(tl_hbm.at[srcv.at[0]], bufs[b], gsem[b]).wait()

    start_gather(0, 0)

    def body(t, _):
      g0 = 2 * t
      start_gather(g0 + 1, 1)
      wait_gather(0)
      pltpu.sync_copy(bufs[0], acc.at[dstv.at[g0]], add=True)
      if with_deg:
        @pl.when(cid == 0)
        def _():
          pltpu.sync_copy(ones, dacc.at[dstv.at[g0]], add=True)
      start_gather(g0 + 2, 0)
      wait_gather(1)
      pltpu.sync_copy(bufs[1], acc.at[dstv.at[g0 + 1]], add=True)
      if with_deg:
        @pl.when(cid == 1)
        def _():
          pltpu.sync_copy(ones, dacc.at[dstv.at[g0 + 1]], add=True)
      return 0

    lax.fori_loop(0, CHUNKS_PW // 2, body, 0)
    wait_gather(0)
    plsc.subcore_barrier()

    pltpu.sync_copy(acc.at[pl.ds(row0, ROWS_PER_SUB)],
                    out_hbm.at[cid, pl.ds(row0, ROWS_PER_SUB)])
    if with_deg:
      pltpu.sync_copy(dacc.at[pl.ds(row0, ROWS_PER_SUB)],
                      dout_hbm.at[cid, pl.ds(row0, ROWS_PER_SUB)])

  return sc_agg


_sc_agg_l1 = _make_sc_agg(True)
_sc_agg_l2 = _make_sc_agg(False)

R = 1000


def _tc_layer1(x_ref, p_ref, dp_ref, ws_ref, wn_ref, b_ref,
               hl_ref, hr_ref, r_ref):
  p = p_ref[...]
  agg = jnp.concatenate([p[0], p[1]], axis=1)
  dp = dp_ref[...]
  deg = dp[0][:, :1] + dp[1][:, :1]
  r = 1.0 / jnp.maximum(deg, 1.0)
  h = (jnp.dot(x_ref[...], ws_ref[...], preferred_element_type=jnp.float32)
       + jnp.dot(agg * r, wn_ref[...], preferred_element_type=jnp.float32)
       + b_ref[...])
  h = jnp.maximum(h, 0.0)
  hl_ref[...] = h[:, :DH]
  hr_ref[...] = h[:, DH:]
  r_ref[...] = jnp.broadcast_to(r, (R, 8))


def _tc_layer2(hl_ref, hr_ref, p_ref, r_ref, ws_ref, wn_ref, b_ref, o_ref):
  p = p_ref[...]
  mean = jnp.concatenate([p[0], p[1]], axis=1) * r_ref[:, :1]
  ws = ws_ref[...]
  o_ref[...] = (
      jnp.dot(hl_ref[...], ws[:DH], preferred_element_type=jnp.float32)
      + jnp.dot(hr_ref[...], ws[DH:], preferred_element_type=jnp.float32)
      + jnp.dot(mean, wn_ref[...], preferred_element_type=jnp.float32)
      + b_ref[...])


def _row_block(shape_tail):
  return pl.BlockSpec((R,) + shape_tail, lambda i: (i,) + (0,) * len(shape_tail))


def _part_block(d):
  return pl.BlockSpec((2, R, d), lambda i: (0, i, 0))


def _full_block(shape):
  return pl.BlockSpec(shape, lambda i: (0,) * len(shape))


def kernel(inputs, edge_index, W_self1, W_neigh1, b1, W_self2, W_neigh2, b2):
  x = inputs
  src = edge_index[0].astype(jnp.int32)
  dst = edge_index[1].astype(jnp.int32)
  pad = E_PAD - N_EDGES
  src = jnp.concatenate([src, jnp.zeros((pad,), jnp.int32)])
  dst = jnp.concatenate([dst, jnp.full((pad,), N_NODES, jnp.int32)])
  src3 = src.reshape(NS, CHUNKS_PW, CHUNK)
  dst3 = dst.reshape(NS, CHUNKS_PW, CHUNK)

  xl = x[:, :DH]
  xr = x[:, DH:]
  z1 = jnp.zeros((N_PAD, DH), jnp.float32)
  zd = jnp.zeros((N_PAD, DEGW), jnp.float32)
  p1, dp = _sc_agg_l1(z1, zd, xl, xr, src3, dst3)

  hl, hr, rdeg = pl.pallas_call(
      _tc_layer1,
      grid=(N_NODES // R,),
      in_specs=[
          _row_block((D,)),
          _part_block(DH),
          _part_block(DEGW),
          _full_block((D, D)),
          _full_block((D, D)),
          _full_block((1, D)),
      ],
      out_specs=[_row_block((DH,)), _row_block((DH,)), _row_block((8,))],
      out_shape=[
          jax.ShapeDtypeStruct((N_NODES, DH), jnp.float32),
          jax.ShapeDtypeStruct((N_NODES, DH), jnp.float32),
          jax.ShapeDtypeStruct((N_NODES, 8), jnp.float32),
      ],
  )(x, p1, dp, W_self1, W_neigh1, b1.reshape(1, D))

  (p2,) = _sc_agg_l2(z1, hl, hr, src3, dst3)

  out = pl.pallas_call(
      _tc_layer2,
      grid=(N_NODES // R,),
      in_specs=[
          _row_block((DH,)),
          _row_block((DH,)),
          _part_block(DH),
          _row_block((8,)),
          _full_block((D, D)),
          _full_block((D, D)),
          _full_block((1, D)),
      ],
      out_specs=_row_block((D,)),
      out_shape=jax.ShapeDtypeStruct((N_NODES, D), jnp.float32),
  )(hl, hr, p2, rdeg, W_self2, W_neigh2, b2.reshape(1, D))

  return out

# --- scband reference (transcript-rebuilt; emitter-appended) ---
"""Pipeline reference for scband-graph-sage-66185446031814 (READ-ONLY COPY).

The authoritative reference and input builder live on the scoring server;
editing this copy changes nothing except your own understanding.
"""

import jax, jax.numpy as jnp
import numpy as np

N_NODES = 10000
N_EDGES = 320000
D_IN = 128
D_HID = 128
D_OUT = 128


def setup_inputs(seed: int = 0) -> dict:
    key = jax.random.key(seed)
    ks = jax.random.split(key, 9)
    x = jax.random.normal(ks[0], (N_NODES, D_IN), dtype=jnp.float32)
    edge_index = jax.random.randint(ks[1], (2, N_EDGES), 0, N_NODES, dtype=jnp.int64)
    s_in = 1.0 / np.sqrt(D_IN)
    s_hid = 1.0 / np.sqrt(D_HID)
    W_self1 = jax.random.normal(ks[2], (D_IN, D_HID), dtype=jnp.float32) * s_in
    W_neigh1 = jax.random.normal(ks[3], (D_IN, D_HID), dtype=jnp.float32) * s_in
    b1 = jnp.zeros((D_HID,), dtype=jnp.float32)
    W_self2 = jax.random.normal(ks[4], (D_HID, D_OUT), dtype=jnp.float32) * s_hid
    W_neigh2 = jax.random.normal(ks[5], (D_HID, D_OUT), dtype=jnp.float32) * s_hid
    b2 = jnp.zeros((D_OUT,), dtype=jnp.float32)
    return {"inputs": x, "edge_index": edge_index, "W_self1": W_self1, "W_neigh1": W_neigh1, "b1": b1, "W_self2": W_self2, "W_neigh2": W_neigh2, "b2": b2}


def _sage_conv(x, src, dst, W_self, W_neigh, b, n_nodes):
    # DGL SAGEConv with 'mean' aggregator:
    # h = fc_self(h_dst) + fc_neigh(mean_{u in N(v)} h_u) + bias
    msgs = jnp.take(x, src, axis=0)                       # gather [E, d]
    agg = jax.ops.segment_sum(msgs, dst, num_segments=n_nodes)  # scatter-add [N, d]
    deg = jax.ops.segment_sum(jnp.ones((src.shape[0],), dtype=x.dtype), dst, num_segments=n_nodes)
    mean_neigh = agg / jnp.maximum(deg, 1.0)[:, None]
    return x @ W_self + mean_neigh @ W_neigh + b


def reference(inputs, edge_index, W_self1, W_neigh1, b1, W_self2, W_neigh2, b2):
    src = edge_index[0]
    dst = edge_index[1]
    n_nodes = inputs.shape[0]
    h = _sage_conv(inputs, src, dst, W_self1, W_neigh1, b1, n_nodes)
    h = jax.nn.relu(h)  # activation between layers; dropout=0.0 is identity
    out = _sage_conv(h, src, dst, W_self2, W_neigh2, b2, n_nodes)
    return out

if __name__ == "__main__":
    import jax
    _d = setup_inputs()
    print(jax.jit(kernel)(*tuple(_d.values())))

</pallas_src>

<mosaic_0001>
#map = affine_map<(d0, d1) -> (0, 0)>
#map1 = affine_map<(d0, d1) -> (0, 0, 0)>
module attributes {stable_mosaic.version = 14 : i64} {
  func.func @sc_agg(%arg0: i32, %arg1: i32, %arg2: memref<10112x64xf32, #tpu.memory_space<hbm>>, %arg3: memref<10000x64xf32, #tpu.memory_space<hbm>>, %arg4: memref<10000x64xf32, #tpu.memory_space<hbm>>, %arg5: memref<16x158x128xi32, #tpu.memory_space<hbm>>, %arg6: memref<16x158x128xi32, #tpu.memory_space<hbm>>, %arg7: memref<2x10112x64xf32, #tpu.memory_space<hbm>>, %arg8: memref<159x128xi32, #tpu.memory_space<vmem>>, %arg9: memref<159x128xi32, #tpu.memory_space<vmem>>, %arg10: memref<128x64xf32, #tpu.memory_space<vmem>>, %arg11: memref<128x64xf32, #tpu.memory_space<vmem>>, %arg12: memref<10112x64xf32, #tpu.memory_space<vmem_shared>>, %arg13: memref<!tpu.dma_semaphore, #tpu.memory_space<semaphore_mem>>, %arg14: memref<!tpu.dma_semaphore, #tpu.memory_space<semaphore_mem>>) attributes {dimension_semantics = [#tpu.dimension_semantics<core_parallel>, #tpu.dimension_semantics<subcore_parallel>], iteration_bounds = array<i64: 2, 16>, scalar_prefetch = 0 : i64, scratch_operands = 7 : i64, tpu.core_type = #tpu.core_type<sc_vector_subcore>, window_params = [{transform_indices = #map}, {transform_indices = #map}, {transform_indices = #map}, {transform_indices = #map1}, {transform_indices = #map1}, {transform_indices = #map1}]} {
    "tpu.region"() ({
      %run_scoped3A = tpu.sem_alloc : memref<!tpu.dma_semaphore, #tpu.memory_space<semaphore_mem>>
      %dma_start3A = arith.constant 0 : i32
      %dma_start3A_21 = arith.constant 0 : i32
      %dma_start3A_22 = tpu.memref_slice %arg8[%dma_start3A, %dma_start3A_21] : memref<159x128xi32, #tpu.memory_space<vmem>> -> memref<158x128xi32, #tpu.memory_space<vmem>>
      %dma_start3A_23 = arith.constant 0 : i32
      %dma_start3A_24 = arith.constant 0 : i32
      %dma_start3A_25 = tpu.memref_slice %arg5[%arg1, %dma_start3A_23, %dma_start3A_24] : memref<16x158x128xi32, #tpu.memory_space<hbm>> -> memref<1x158x128xi32, #tpu.memory_space<hbm>>
      %dma_start3A_26 = tpu.memref_squeeze %dma_start3A_25 : memref<1x158x128xi32, #tpu.memory_space<hbm>> -> memref<158x128xi32, #tpu.memory_space<hbm>>
      %dma_start3A_27 = arith.constant 0 : i32
      %dma_start3A_28 = arith.constant 0 : i32
      %dma_start3A_29 = tpu.memref_slice %arg8[%dma_start3A_27, %dma_start3A_28] : memref<159x128xi32, #tpu.memory_space<vmem>> -> memref<158x128xi32, #tpu.memory_space<vmem>>
      %dma_start3A_30 = arith.constant 0 : i32
      %dma_start3A_31 = arith.constant 0 : i32
      %dma_start3A_32 = tpu.memref_slice %arg5[%arg1, %dma_start3A_30, %dma_start3A_31] : memref<16x158x128xi32, #tpu.memory_space<hbm>> -> memref<1x158x128xi32, #tpu.memory_space<hbm>>
      %dma_start3A_33 = tpu.memref_squeeze %dma_start3A_32 : memref<1x158x128xi32, #tpu.memory_space<hbm>> -> memref<158x128xi32, #tpu.memory_space<hbm>>
      tpu.enqueue_dma source(%dma_start3A_33 : memref<158x128xi32, #tpu.memory_space<hbm>>) target(%dma_start3A_29 : memref<158x128xi32, #tpu.memory_space<vmem>>) target_semaphore(%run_scoped3A : memref<!tpu.dma_semaphore, #tpu.memory_space<semaphore_mem>>)
      %dma_wait3A_34 = arith.constant 0 : i32
      %dma_wait3A_35 = arith.constant 0 : i32
      %dma_wait3A_36 = tpu.memref_slice %arg8[%dma_wait3A_34, %dma_wait3A_35] : memref<159x128xi32, #tpu.memory_space<vmem>> -> memref<158x128xi32, #tpu.memory_space<vmem>>
      %dma_wait3A_37 = arith.constant 0 : i32
      %dma_wait3A_38 = arith.constant 0 : i32
      %dma_wait3A_39 = tpu.memref_slice %arg5[%arg1, %dma_wait3A_37, %dma_wait3A_38] : memref<16x158x128xi32, #tpu.memory_space<hbm>> -> memref<1x158x128xi32, #tpu.memory_space<hbm>>
      %dma_wait3A_40 = tpu.memref_squeeze %dma_wait3A_39 : memref<1x158x128xi32, #tpu.memory_space<hbm>> -> memref<158x128xi32, #tpu.memory_space<hbm>>
      %dma_wait3A_41 = arith.constant 0 : i32
      %dma_wait3A_42 = arith.constant 0 : i32
      %dma_wait3A_43 = tpu.memref_slice %arg8[%dma_wait3A_41, %dma_wait3A_42] : memref<159x128xi32, #tpu.memory_space<vmem>> -> memref<158x128xi32, #tpu.memory_space<vmem>>
      %dma_wait3A_44 = arith.constant 0 : i32
      %dma_wait3A_45 = arith.constant 0 : i32
      %dma_wait3A_46 = tpu.memref_slice %arg5[%arg1, %dma_wait3A_44, %dma_wait3A_45] : memref<16x158x128xi32, #tpu.memory_space<hbm>> -> memref<1x158x128xi32, #tpu.memory_space<hbm>>
      %dma_wait3A_47 = tpu.memref_squeeze %dma_wait3A_46 : memref<1x158x128xi32, #tpu.memory_space<hbm>> -> memref<158x128xi32, #tpu.memory_space<hbm>>
      tpu.wait_dma2 semaphore(%run_scoped3A : memref<!tpu.dma_semaphore, #tpu.memory_space<semaphore_mem>>) src(%dma_wait3A_47 : memref<158x128xi32, #tpu.memory_space<hbm>>) dst(%dma_wait3A_43 : memref<158x128xi32, #tpu.memory_space<vmem>>)
      tpu.yield
    }) : () -> ()
    "tpu.region"() ({
      %run_scoped3A = tpu.sem_alloc : memref<!tpu.dma_semaphore, #tpu.memory_space<semaphore_mem>>
      %dma_start3A = arith.constant 0 : i32
      %dma_start3A_21 = arith.constant 0 : i32
      %dma_start3A_22 = tpu.memref_slice %arg9[%dma_start3A, %dma_start3A_21] : memref<159x128xi32, #tpu.memory_space<vmem>> -> memref<158x128xi32, #tpu.memory_space<vmem>>
      %dma_start3A_23 = arith.constant 0 : i32
      %dma_start3A_24 = arith.constant 0 : i32
      %dma_start3A_25 = tpu.memref_slice %arg6[%arg1, %dma_start3A_23, %dma_start3A_24] : memref<16x158x128xi32, #tpu.memory_space<hbm>> -> memref<1x158x128xi32, #tpu.memory_space<hbm>>
      %dma_start3A_26 = tpu.memref_squeeze %dma_start3A_25 : memref<1x158x128xi32, #tpu.memory_space<hbm>> -> memref<158x128xi32, #tpu.memory_space<hbm>>
      %dma_start3A_27 = arith.constant 0 : i32
      %dma_start3A_28 = arith.constant 0 : i32
      %dma_start3A_29 = tpu.memref_slice %arg9[%dma_start3A_27, %dma_start3A_28] : memref<159x128xi32, #tpu.memory_space<vmem>> -> memref<158x128xi32, #tpu.memory_space<vmem>>
      %dma_start3A_30 = arith.constant 0 : i32
      %dma_start3A_31 = arith.constant 0 : i32
      %dma_start3A_32 = tpu.memref_slice %arg6[%arg1, %dma_start3A_30, %dma_start3A_31] : memref<16x158x128xi32, #tpu.memory_space<hbm>> -> memref<1x158x128xi32, #tpu.memory_space<hbm>>
      %dma_start3A_33 = tpu.memref_squeeze %dma_start3A_32 : memref<1x158x128xi32, #tpu.memory_space<hbm>> -> memref<158x128xi32, #tpu.memory_space<hbm>>
      tpu.enqueue_dma source(%dma_start3A_33 : memref<158x128xi32, #tpu.memory_space<hbm>>) target(%dma_start3A_29 : memref<158x128xi32, #tpu.memory_space<vmem>>) target_semaphore(%run_scoped3A : memref<!tpu.dma_semaphore, #tpu.memory_space<semaphore_mem>>)
      %dma_wait3A_34 = arith.constant 0 : i32
      %dma_wait3A_35 = arith.constant 0 : i32
      %dma_wait3A_36 = tpu.memref_slice %arg9[%dma_wait3A_34, %dma_wait3A_35] : memref<159x128xi32, #tpu.memory_space<vmem>> -> memref<158x128xi32, #tpu.memory_space<vmem>>
      %dma_wait3A_37 = arith.constant 0 : i32
      %dma_wait3A_38 = arith.constant 0 : i32
      %dma_wait3A_39 = tpu.memref_slice %arg6[%arg1, %dma_wait3A_37, %dma_wait3A_38] : memref<16x158x128xi32, #tpu.memory_space<hbm>> -> memref<1x158x128xi32, #tpu.memory_space<hbm>>
      %dma_wait3A_40 = tpu.memref_squeeze %dma_wait3A_39 : memref<1x158x128xi32, #tpu.memory_space<hbm>> -> memref<158x128xi32, #tpu.memory_space<hbm>>
      %dma_wait3A_41 = arith.constant 0 : i32
      %dma_wait3A_42 = arith.constant 0 : i32
      %dma_wait3A_43 = tpu.memref_slice %arg9[%dma_wait3A_41, %dma_wait3A_42] : memref<159x128xi32, #tpu.memory_space<vmem>> -> memref<158x128xi32, #tpu.memory_space<vmem>>
      %dma_wait3A_44 = arith.constant 0 : i32
      %dma_wait3A_45 = arith.constant 0 : i32
      %dma_wait3A_46 = tpu.memref_slice %arg6[%arg1, %dma_wait3A_44, %dma_wait3A_45] : memref<16x158x128xi32, #tpu.memory_space<hbm>> -> memref<1x158x128xi32, #tpu.memory_space<hbm>>
      %dma_wait3A_47 = tpu.memref_squeeze %dma_wait3A_46 : memref<1x158x128xi32, #tpu.memory_space<hbm>> -> memref<158x128xi32, #tpu.memory_space<hbm>>
      tpu.wait_dma2 semaphore(%run_scoped3A : memref<!tpu.dma_semaphore, #tpu.memory_space<semaphore_mem>>) src(%dma_wait3A_47 : memref<158x128xi32, #tpu.memory_space<hbm>>) dst(%dma_wait3A_43 : memref<158x128xi32, #tpu.memory_space<vmem>>)
      tpu.yield
    }) : () -> ()
    "tpu.region"() ({
      %run_scoped3A = tpu.sem_alloc : memref<!tpu.dma_semaphore, #tpu.memory_space<semaphore_mem>>
      %dma_start3A = arith.constant 158 : i32
      %dma_start3A_21 = arith.constant 0 : i32
      %dma_start3A_22 = tpu.memref_slice %arg8[%dma_start3A, %dma_start3A_21] : memref<159x128xi32, #tpu.memory_space<vmem>> -> memref<1x128xi32, #tpu.memory_space<vmem>>
      %dma_start3A_23 = arith.constant 0 : i32
      %dma_start3A_24 = arith.constant 0 : i32
      %dma_start3A_25 = tpu.memref_slice %arg5[%arg1, %dma_start3A_23, %dma_start3A_24] : memref<16x158x128xi32, #tpu.memory_space<hbm>> -> memref<1x1x128xi32, #tpu.memory_space<hbm>>
      %dma_start3A_26 = tpu.memref_squeeze %dma_start3A_25 : memref<1x1x128xi32, #tpu.memory_space<hbm>> -> memref<1x128xi32, #tpu.memory_space<hbm>>
      %dma_start3A_27 = arith.constant 158 : i32
      %dma_start3A_28 = arith.constant 0 : i32
      %dma_start3A_29 = tpu.memref_slice %arg8[%dma_start3A_27, %dma_start3A_28] : memref<159x128xi32, #tpu.memory_space<vmem>> -> memref<1x128xi32, #tpu.memory_space<vmem>>
      %dma_start3A_30 = arith.constant 0 : i32
      %dma_start3A_31 = arith.constant 0 : i32
      %dma_start3A_32 = tpu.memref_slice %arg5[%arg1, %dma_start3A_30, %dma_start3A_31] : memref<16x158x128xi32, #tpu.memory_space<hbm>> -> memref<1x1x128xi32, #tpu.memory_space<hbm>>
      %dma_start3A_33 = tpu.memref_squeeze %dma_start3A_32 : memref<1x1x128xi32, #tpu.memory_space<hbm>> -> memref<1x128xi32, #tpu.memory_space<hbm>>
      tpu.enqueue_dma source(%dma_start3A_33 : memref<1x128xi32, #tpu.memory_space<hbm>>) target(%dma_start3A_29 : memref<1x128xi32, #tpu.memory_space<vmem>>) target_semaphore(%run_scoped3A : memref<!tpu.dma_semaphore, #tpu.memory_space<semaphore_mem>>)
      %dma_wait3A_34 = arith.constant 158 : i32
      %dma_wait3A_35 = arith.constant 0 : i32
      %dma_wait3A_36 = tpu.memref_slice %arg8[%dma_wait3A_34, %dma_wait3A_35] : memref<159x128xi32, #tpu.memory_space<vmem>> -> memref<1x128xi32, #tpu.memory_space<vmem>>
      %dma_wait3A_37 = arith.constant 0 : i32
      %dma_wait3A_38 = arith.constant 0 : i32
      %dma_wait3A_39 = tpu.memref_slice %arg5[%arg1, %dma_wait3A_37, %dma_wait3A_38] : memref<16x158x128xi32, #tpu.memory_space<hbm>> -> memref<1x1x128xi32, #tpu.memory_space<hbm>>
      %dma_wait3A_40 = tpu.memref_squeeze %dma_wait3A_39 : memref<1x1x128xi32, #tpu.memory_space<hbm>> -> memref<1x128xi32, #tpu.memory_space<hbm>>
      %dma_wait3A_41 = arith.constant 158 : i32
      %dma_wait3A_42 = arith.constant 0 : i32
      %dma_wait3A_43 = tpu.memref_slice %arg8[%dma_wait3A_41, %dma_wait3A_42] : memref<159x128xi32, #tpu.memory_space<vmem>> -> memref<1x128xi32, #tpu.memory_space<vmem>>
      %dma_wait3A_44 = arith.constant 0 : i32
      %dma_wait3A_45 = arith.constant 0 : i32
      %dma_wait3A_46 = tpu.memref_slice %arg5[%arg1, %dma_wait3A_44, %dma_wait3A_45] : memref<16x158x128xi32, #tpu.memory_space<hbm>> -> memref<1x1x128xi32, #tpu.memory_space<hbm>>
      %dma_wait3A_47 = tpu.memref_squeeze %dma_wait3A_46 : memref<1x1x128xi32, #tpu.memory_space<hbm>> -> memref<1x128xi32, #tpu.memory_space<hbm>>
      tpu.wait_dma2 semaphore(%run_scoped3A : memref<!tpu.dma_semaphore, #tpu.memory_space<semaphore_mem>>) src(%dma_wait3A_47 : memref<1x128xi32, #tpu.memory_space<hbm>>) dst(%dma_wait3A_43 : memref<1x128xi32, #tpu.memory_space<vmem>>)
      tpu.yield
    }) : () -> ()
    %mul3A = arith.constant 632 : i32
    %mul3A_0 = arith.muli %arg1, %mul3A : i32
    "tpu.region"() ({
      %run_scoped3A = tpu.sem_alloc : memref<!tpu.dma_semaphore, #tpu.memory_space<semaphore_mem>>
      %dma_start3A = arith.constant 0 : i32
      %dma_start3A_21 = tpu.memref_slice %arg12[%mul3A_0, %dma_start3A] : memref<10112x64xf32, #tpu.memory_space<vmem_shared>> -> memref<632x64xf32, #tpu.memory_space<vmem_shared>>
      %dma_start3A_22 = arith.constant 0 : i32
      %dma_start3A_23 = tpu.memref_slice %arg2[%mul3A_0, %dma_start3A_22] : memref<10112x64xf32, #tpu.memory_space<hbm>> -> memref<632x64xf32, #tpu.memory_space<hbm>>
      tpu.enqueue_dma source(%dma_start3A_23 : memref<632x64xf32, #tpu.memory_space<hbm>>) target(%dma_start3A_21 : memref<632x64xf32, #tpu.memory_space<vmem_shared>>) target_semaphore(%run_scoped3A : memref<!tpu.dma_semaphore, #tpu.memory_space<semaphore_mem>>)
      %dma_wait3A_24 = arith.constant 0 : i32
      %dma_wait3A_25 = tpu.memref_slice %arg12[%mul3A_0, %dma_wait3A_24] : memref<10112x64xf32, #tpu.memory_space<vmem_shared>> -> memref<632x64xf32, #tpu.memory_space<vmem_shared>>
      %dma_wait3A_26 = arith.constant 0 : i32
      %dma_wait3A_27 = tpu.memref_slice %arg2[%mul3A_0, %dma_wait3A_26] : memref<10112x64xf32, #tpu.memory_space<hbm>> -> memref<632x64xf32, #tpu.memory_space<hbm>>
      tpu.wait_dma2 semaphore(%run_scoped3A : memref<!tpu.dma_semaphore, #tpu.memory_space<semaphore_mem>>) src(%dma_wait3A_27 : memref<632x64xf32, #tpu.memory_space<hbm>>) dst(%dma_wait3A_25 : memref<632x64xf32, #tpu.memory_space<vmem_shared>>)
      tpu.yield
    }) : () -> ()
    %barrier3A = arith.constant 0 : index
    tpu.barrier barrier_id(%barrier3A)
    %eq3A = arith.constant 0 : i32
    %eq3A_1 = arith.cmpi eq, %arg0, %eq3A : i32
    %convert_element_type3A = arith.extui %eq3A_1 : i1 to i32
    %cond3A = arith.constant 0 : i32
    %cond3A_2 = arith.cmpi ne, %convert_element_type3A, %cond3A : i32
    scf.if %cond3A_2 {
      %dma_start3A = arith.constant 0 : i32
      %dma_start3A_21 = arith.constant 0 : i32
      %dma_start3A_22 = tpu.memref_slice %arg8[%dma_start3A, %dma_start3A_21] : memref<159x128xi32, #tpu.memory_space<vmem>> -> memref<1x128xi32, #tpu.memory_space<vmem>>
      %dma_start3A_23 = tpu.memref_squeeze %dma_start3A_22 : memref<1x128xi32, #tpu.memory_space<vmem>> -> memref<128xi32, #tpu.memory_space<vmem>>
      %dma_start3A_24 = arith.constant 0 : i32
      %dma_start3A_25 = arith.constant 0 : i32
      %dma_start3A_26 = tpu.memref_slice %arg3[%dma_start3A_24, %dma_start3A_25] : memref<10000x64xf32, #tpu.memory_space<hbm>> -> memref<10000x64xf32, #tpu.memory_space<hbm>>
      tpu.enqueue_indirect_dma source(%dma_start3A_26 : memref<10000x64xf32, #tpu.memory_space<hbm>>) target(%arg10 : memref<128x64xf32, #tpu.memory_space<vmem>>) offsets(%dma_start3A_23 : memref<128xi32, #tpu.memory_space<vmem>>) semaphore(%arg13 : memref<!tpu.dma_semaphore, #tpu.memory_space<semaphore_mem>>)
    } else {
    }
    %eq3A_3 = arith.constant 1 : i32
    %eq3A_4 = arith.cmpi eq, %arg0, %eq3A_3 : i32
    %convert_element_type3A_5 = arith.extui %eq3A_4 : i1 to i32
    %cond3A_6 = arith.constant 0 : i32
    %cond3A_7 = arith.cmpi ne, %convert_element_type3A_5, %cond3A_6 : i32
    scf.if %cond3A_7 {
      %dma_start3A = arith.constant 0 : i32
      %dma_start3A_21 = arith.constant 0 : i32
      %dma_start3A_22 = tpu.memref_slice %arg8[%dma_start3A, %dma_start3A_21] : memref<159x128xi32, #tpu.memory_space<vmem>> -> memref<1x128xi32, #tpu.memory_space<vmem>>
      %dma_start3A_23 = tpu.memref_squeeze %dma_start3A_22 : memref<1x128xi32, #tpu.memory_space<vmem>> -> memref<128xi32, #tpu.memory_space<vmem>>
      %dma_start3A_24 = arith.constant 0 : i32
      %dma_start3A_25 = arith.constant 0 : i32
      %dma_start3A_26 = tpu.memref_slice %arg4[%dma_start3A_24, %dma_start3A_25] : memref<10000x64xf32, #tpu.memory_space<hbm>> -> memref<10000x64xf32, #tpu.memory_space<hbm>>
      tpu.enqueue_indirect_dma source(%dma_start3A_26 : memref<10000x64xf32, #tpu.memory_space<hbm>>) target(%arg10 : memref<128x64xf32, #tpu.memory_space<vmem>>) offsets(%dma_start3A_23 : memref<128xi32, #tpu.memory_space<vmem>>) semaphore(%arg13 : memref<!tpu.dma_semaphore, #tpu.memory_space<semaphore_mem>>)
    } else {
    }
    %scan3A = arith.constant 0 : i32
    %scan3A_8 = arith.constant 0 : i32
    %scan3A_9 = arith.constant 79 : i32
    %scan3A_10 = arith.addi %scan3A_8, %scan3A_9 : i32
    %scan3A_11 = arith.constant 1 : i32
    %scan3A_12 = scf.for %scan3A_21 = %scan3A_8 to %scan3A_10 step %scan3A_11 iter_args(%scan3A_22 = %scan3A) -> (i32)  : i32 {
      %mul3A_23 = arith.constant 2 : i32
      %mul3A_24 = arith.muli %mul3A_23, %scan3A_21 : i32
      %add3A = arith.constant 1 : i32
      %add3A_25 = arith.addi %mul3A_24, %add3A : i32
      %eq3A_26 = arith.constant 0 : i32
      %eq3A_27 = arith.cmpi eq, %arg0, %eq3A_26 : i32
      %convert_element_type3A_28 = arith.extui %eq3A_27 : i1 to i32
      %cond3A_29 = arith.constant 0 : i32
      %cond3A_30 = arith.cmpi ne, %convert_element_type3A_28, %cond3A_29 : i32
      scf.if %cond3A_30 {
        %dma_start3A = arith.constant 0 : i32
        %dma_start3A_65 = tpu.memref_slice %arg8[%add3A_25, %dma_start3A] : memref<159x128xi32, #tpu.memory_space<vmem>> -> memref<1x128xi32, #tpu.memory_space<vmem>>
        %dma_start3A_66 = tpu.memref_squeeze %dma_start3A_65 : memref<1x128xi32, #tpu.memory_space<vmem>> -> memref<128xi32, #tpu.memory_space<vmem>>
        %dma_start3A_67 = arith.constant 0 : i32
        %dma_start3A_68 = arith.constant 0 : i32
        %dma_start3A_69 = tpu.memref_slice %arg3[%dma_start3A_67, %dma_start3A_68] : memref<10000x64xf32, #tpu.memory_space<hbm>> -> memref<10000x64xf32, #tpu.memory_space<hbm>>
        tpu.enqueue_indirect_dma source(%dma_start3A_69 : memref<10000x64xf32, #tpu.memory_space<hbm>>) target(%arg11 : memref<128x64xf32, #tpu.memory_space<vmem>>) offsets(%dma_start3A_66 : memref<128xi32, #tpu.memory_space<vmem>>) semaphore(%arg14 : memref<!tpu.dma_semaphore, #tpu.memory_space<semaphore_mem>>)
      } else {
      }
      %eq3A_31 = arith.constant 1 : i32
      %eq3A_32 = arith.cmpi eq, %arg0, %eq3A_31 : i32
      %convert_element_type3A_33 = arith.extui %eq3A_32 : i1 to i32
      %cond3A_34 = arith.constant 0 : i32
      %cond3A_35 = arith.cmpi ne, %convert_element_type3A_33, %cond3A_34 : i32
      scf.if %cond3A_35 {
        %dma_start3A = arith.constant 0 : i32
        %dma_start3A_65 = tpu.memref_slice %arg8[%add3A_25, %dma_start3A] : memref<159x128xi32, #tpu.memory_space<vmem>> -> memref<1x128xi32, #tpu.memory_space<vmem>>
        %dma_start3A_66 = tpu.memref_squeeze %dma_start3A_65 : memref<1x128xi32, #tpu.memory_space<vmem>> -> memref<128xi32, #tpu.memory_space<vmem>>
        %dma_start3A_67 = arith.constant 0 : i32
        %dma_start3A_68 = arith.constant 0 : i32
        %dma_start3A_69 = tpu.memref_slice %arg4[%dma_start3A_67, %dma_start3A_68] : memref<10000x64xf32, #tpu.memory_space<hbm>> -> memref<10000x64xf32, #tpu.memory_space<hbm>>
        tpu.enqueue_indirect_dma source(%dma_start3A_69 : memref<10000x64xf32, #tpu.memory_space<hbm>>) target(%arg11 : memref<128x64xf32, #tpu.memory_space<vmem>>) offsets(%dma_start3A_66 : memref<128xi32, #tpu.memory_space<vmem>>) semaphore(%arg14 : memref<!tpu.dma_semaphore, #tpu.memory_space<semaphore_mem>>)
      } else {
      }
      %dma_wait3A_36 = arith.constant 0 : i32
      %dma_wait3A_37 = arith.constant 0 : i32
      %dma_wait3A_38 = tpu.memref_slice %arg8[%dma_wait3A_36, %dma_wait3A_37] : memref<159x128xi32, #tpu.memory_space<vmem>> -> memref<1x128xi32, #tpu.memory_space<vmem>>
      %dma_wait3A_39 = tpu.memref_squeeze %dma_wait3A_38 : memref<1x128xi32, #tpu.memory_space<vmem>> -> memref<128xi32, #tpu.memory_space<vmem>>
      %dma_wait3A_40 = arith.constant 0 : i32
      %dma_wait3A_41 = arith.constant 0 : i32
      %dma_wait3A_42 = tpu.memref_slice %arg3[%dma_wait3A_40, %dma_wait3A_41] : memref<10000x64xf32, #tpu.memory_space<hbm>> -> memref<10000x64xf32, #tpu.memory_space<hbm>>
      tpu.wait_indirect_dma semaphore(%arg13 : memref<!tpu.dma_semaphore, #tpu.memory_space<semaphore_mem>>) src(%dma_wait3A_42 : memref<10000x64xf32, #tpu.memory_space<hbm>>) dst(%arg10 : memref<128x64xf32, #tpu.memory_space<vmem>>)
      "tpu.region"() ({
        %run_scoped3A = tpu.sem_alloc : memref<!tpu.dma_semaphore, #tpu.memory_space<semaphore_mem>>
        %dma_start3A = arith.constant 0 : i32
        %dma_start3A_65 = tpu.memref_slice %arg9[%mul3A_24, %dma_start3A] : memref<159x128xi32, #tpu.memory_space<vmem>> -> memref<1x128xi32, #tpu.memory_space<vmem>>
        %dma_start3A_66 = tpu.memref_squeeze %dma_start3A_65 : memref<1x128xi32, #tpu.memory_space<vmem>> -> memref<128xi32, #tpu.memory_space<vmem>>
        %dma_start3A_67 = arith.constant 0 : i32
        %dma_start3A_68 = arith.constant 0 : i32
        %dma_start3A_69 = tpu.memref_slice %arg12[%dma_start3A_67, %dma_start3A_68] : memref<10112x64xf32, #tpu.memory_space<vmem_shared>> -> memref<10112x64xf32, #tpu.memory_space<vmem_shared>>
        tpu.enqueue_indirect_dma source(%arg10 : memref<128x64xf32, #tpu.memory_space<vmem>>) target(%dma_start3A_69 : memref<10112x64xf32, #tpu.memory_space<vmem_shared>>) offsets(%dma_start3A_66 : memref<128xi32, #tpu.memory_space<vmem>>) semaphore(%run_scoped3A : memref<!tpu.dma_semaphore, #tpu.memory_space<semaphore_mem>>) {add = true}
        %dma_wait3A_70 = arith.constant 0 : i32
        %dma_wait3A_71 = tpu.memref_slice %arg9[%mul3A_24, %dma_wait3A_70] : memref<159x128xi32, #tpu.memory_space<vmem>> -> memref<1x128xi32, #tpu.memory_space<vmem>>
        %dma_wait3A_72 = tpu.memref_squeeze %dma_wait3A_71 : memref<1x128xi32, #tpu.memory_space<vmem>> -> memref<128xi32, #tpu.memory_space<vmem>>
        %dma_wait3A_73 = arith.constant 0 : i32
        %dma_wait3A_74 = arith.constant 0 : i32
        %dma_wait3A_75 = tpu.memref_slice %arg12[%dma_wait3A_73, %dma_wait3A_74] : memref<10112x64xf32, #tpu.memory_space<vmem_shared>> -> memref<10112x64xf32, #tpu.memory_space<vmem_shared>>
        tpu.wait_indirect_dma semaphore(%run_scoped3A : memref<!tpu.dma_semaphore, #tpu.memory_space<semaphore_mem>>) src(%arg10 : memref<128x64xf32, #tpu.memory_space<vmem>>) dst(%dma_wait3A_75 : memref<10112x64xf32, #tpu.memory_space<vmem_shared>>)
        tpu.yield
      }) : () -> ()
      %add3A_43 = arith.constant 2 : i32
      %add3A_44 = arith.addi %mul3A_24, %add3A_43 : i32
      %eq3A_45 = arith.constant 0 : i32
      %eq3A_46 = arith.cmpi eq, %arg0, %eq3A_45 : i32
      %convert_element_type3A_47 = arith.extui %eq3A_46 : i1 to i32
      %cond3A_48 = arith.constant 0 : i32
      %cond3A_49 = arith.cmpi ne, %convert_element_type3A_47, %cond3A_48 : i32
      scf.if %cond3A_49 {
        %dma_start3A = arith.constant 0 : i32
        %dma_start3A_65 = tpu.memref_slice %arg8[%add3A_44, %dma_start3A] : memref<159x128xi32, #tpu.memory_space<vmem>> -> memref<1x128xi32, #tpu.memory_space<vmem>>
        %dma_start3A_66 = tpu.memref_squeeze %dma_start3A_65 : memref<1x128xi32, #tpu.memory_space<vmem>> -> memref<128xi32, #tpu.memory_space<vmem>>
        %dma_start3A_67 = arith.constant 0 : i32
        %dma_start3A_68 = arith.constant 0 : i32
        %dma_start3A_69 = tpu.memref_slice %arg3[%dma_start3A_67, %dma_start3A_68] : memref<10000x64xf32, #tpu.memory_space<hbm>> -> memref<10000x64xf32, #tpu.memory_space<hbm>>
        tpu.enqueue_indirect_dma source(%dma_start3A_69 : memref<10000x64xf32, #tpu.memory_space<hbm>>) target(%arg10 : memref<128x64xf32, #tpu.memory_space<vmem>>) offsets(%dma_start3A_66 : memref<128xi32, #tpu.memory_space<vmem>>) semaphore(%arg13 : memref<!tpu.dma_semaphore, #tpu.memory_space<semaphore_mem>>)
      } else {
      }
      %eq3A_50 = arith.constant 1 : i32
      %eq3A_51 = arith.cmpi eq, %arg0, %eq3A_50 : i32
      %convert_element_type3A_52 = arith.extui %eq3A_51 : i1 to i32
      %cond3A_53 = arith.constant 0 : i32
      %cond3A_54 = arith.cmpi ne, %convert_element_type3A_52, %cond3A_53 : i32
      scf.if %cond3A_54 {
        %dma_start3A = arith.constant 0 : i32
        %dma_start3A_65 = tpu.memref_slice %arg8[%add3A_44, %dma_start3A] : memref<159x128xi32, #tpu.memory_space<vmem>> -> memref<1x128xi32, #tpu.memory_space<vmem>>
        %dma_start3A_66 = tpu.memref_squeeze %dma_start3A_65 : memref<1x128xi32, #tpu.memory_space<vmem>> -> memref<128xi32, #tpu.memory_space<vmem>>
        %dma_start3A_67 = arith.constant 0 : i32
        %dma_start3A_68 = arith.constant 0 : i32
        %dma_start3A_69 = tpu.memref_slice %arg4[%dma_start3A_67, %dma_start3A_68] : memref<10000x64xf32, #tpu.memory_space<hbm>> -> memref<10000x64xf32, #tpu.memory_space<hbm>>
        tpu.enqueue_indirect_dma source(%dma_start3A_69 : memref<10000x64xf32, #tpu.memory_space<hbm>>) target(%arg10 : memref<128x64xf32, #tpu.memory_space<vmem>>) offsets(%dma_start3A_66 : memref<128xi32, #tpu.memory_space<vmem>>) semaphore(%arg13 : memref<!tpu.dma_semaphore, #tpu.memory_space<semaphore_mem>>)
      } else {
      }
      %dma_wait3A_55 = arith.constant 0 : i32
      %dma_wait3A_56 = arith.constant 0 : i32
      %dma_wait3A_57 = tpu.memref_slice %arg8[%dma_wait3A_55, %dma_wait3A_56] : memref<159x128xi32, #tpu.memory_space<vmem>> -> memref<1x128xi32, #tpu.memory_space<vmem>>
      %dma_wait3A_58 = tpu.memref_squeeze %dma_wait3A_57 : memref<1x128xi32, #tpu.memory_space<vmem>> -> memref<128xi32, #tpu.memory_space<vmem>>
      %dma_wait3A_59 = arith.constant 0 : i32
      %dma_wait3A_60 = arith.constant 0 : i32
      %dma_wait3A_61 = tpu.memref_slice %arg3[%dma_wait3A_59, %dma_wait3A_60] : memref<10000x64xf32, #tpu.memory_space<hbm>> -> memref<10000x64xf32, #tpu.memory_space<hbm>>
      tpu.wait_indirect_dma semaphore(%arg14 : memref<!tpu.dma_semaphore, #tpu.memory_space<semaphore_mem>>) src(%dma_wait3A_61 : memref<10000x64xf32, #tpu.memory_space<hbm>>) dst(%arg11 : memref<128x64xf32, #tpu.memory_space<vmem>>)
      %add3A_62 = arith.constant 1 : i32
      %add3A_63 = arith.addi %mul3A_24, %add3A_62 : i32
      "tpu.region"() ({
        %run_scoped3A = tpu.sem_alloc : memref<!tpu.dma_semaphore, #tpu.memory_space<semaphore_mem>>
        %dma_start3A = arith.constant 0 : i32
        %dma_start3A_65 = tpu.memref_slice %arg9[%add3A_63, %dma_start3A] : memref<159x128xi32, #tpu.memory_space<vmem>> -> memref<1x128xi32, #tpu.memory_space<vmem>>
        %dma_start3A_66 = tpu.memref_squeeze %dma_start3A_65 : memref<1x128xi32, #tpu.memory_space<vmem>> -> memref<128xi32, #tpu.memory_space<vmem>>
        %dma_start3A_67 = arith.constant 0 : i32
        %dma_start3A_68 = arith.constant 0 : i32
        %dma_start3A_69 = tpu.memref_slice %arg12[%dma_start3A_67, %dma_start3A_68] : memref<10112x64xf32, #tpu.memory_space<vmem_shared>> -> memref<10112x64xf32, #tpu.memory_space<vmem_shared>>
        tpu.enqueue_indirect_dma source(%arg11 : memref<128x64xf32, #tpu.memory_space<vmem>>) target(%dma_start3A_69 : memref<10112x64xf32, #tpu.memory_space<vmem_shared>>) offsets(%dma_start3A_66 : memref<128xi32, #tpu.memory_space<vmem>>) semaphore(%run_scoped3A : memref<!tpu.dma_semaphore, #tpu.memory_space<semaphore_mem>>) {add = true}
        %dma_wait3A_70 = arith.constant 0 : i32
        %dma_wait3A_71 = tpu.memref_slice %arg9[%add3A_63, %dma_wait3A_70] : memref<159x128xi32, #tpu.memory_space<vmem>> -> memref<1x128xi32, #tpu.memory_space<vmem>>
        %dma_wait3A_72 = tpu.memref_squeeze %dma_wait3A_71 : memref<1x128xi32, #tpu.memory_space<vmem>> -> memref<128xi32, #tpu.memory_space<vmem>>
        %dma_wait3A_73 = arith.constant 0 : i32
        %dma_wait3A_74 = arith.constant 0 : i32
        %dma_wait3A_75 = tpu.memref_slice %arg12[%dma_wait3A_73, %dma_wait3A_74] : memref<10112x64xf32, #tpu.memory_space<vmem_shared>> -> memref<10112x64xf32, #tpu.memory_space<vmem_shared>>
        tpu.wait_indirect_dma semaphore(%run_scoped3A : memref<!tpu.dma_semaphore, #tpu.memory_space<semaphore_mem>>) src(%arg11 : memref<128x64xf32, #tpu.memory_space<vmem>>) dst(%dma_wait3A_75 : memref<10112x64xf32, #tpu.memory_space<vmem_shared>>)
        tpu.yield
      }) : () -> ()
      %scan3A_64 = arith.constant 0 : i32
      scf.yield %scan3A_64 : i32
    }
    %scan3A_13 = arith.constant 79 : i32
    %dma_wait3A = arith.constant 0 : i32
    %dma_wait3A_14 = arith.constant 0 : i32
    %dma_wait3A_15 = tpu.memref_slice %arg8[%dma_wait3A, %dma_wait3A_14] : memref<159x128xi32, #tpu.memory_space<vmem>> -> memref<1x128xi32, #tpu.memory_space<vmem>>
    %dma_wait3A_16 = tpu.memref_squeeze %dma_wait3A_15 : memref<1x128xi32, #tpu.memory_space<vmem>> -> memref<128xi32, #tpu.memory_space<vmem>>
    %dma_wait3A_17 = arith.constant 0 : i32
    %dma_wait3A_18 = arith.constant 0 : i32
    %dma_wait3A_19 = tpu.memref_slice %arg3[%dma_wait3A_17, %dma_wait3A_18] : memref<10000x64xf32, #tpu.memory_space<hbm>> -> memref<10000x64xf32, #tpu.memory_space<hbm>>
    tpu.wait_indirect_dma semaphore(%arg13 : memref<!tpu.dma_semaphore, #tpu.memory_space<semaphore_mem>>) src(%dma_wait3A_19 : memref<10000x64xf32, #tpu.memory_space<hbm>>) dst(%arg10 : memref<128x64xf32, #tpu.memory_space<vmem>>)
    %barrier3A_20 = arith.constant 0 : index
    tpu.barrier barrier_id(%barrier3A_20)
    "tpu.region"() ({
      %run_scoped3A = tpu.sem_alloc : memref<!tpu.dma_semaphore, #tpu.memory_space<semaphore_mem>>
      %dma_start3A = arith.constant 0 : i32
      %dma_start3A_21 = tpu.memref_slice %arg7[%arg0, %mul3A_0, %dma_start3A] : memref<2x10112x64xf32, #tpu.memory_space<hbm>> -> memref<1x632x64xf32, #tpu.memory_space<hbm>>
      %dma_start3A_22 = tpu.memref_squeeze %dma_start3A_21 : memref<1x632x64xf32, #tpu.memory_space<hbm>> -> memref<632x64xf32, #tpu.memory_space<hbm>>
      %dma_start3A_23 = arith.constant 0 : i32
      %dma_start3A_24 = tpu.memref_slice %arg12[%mul3A_0, %dma_start3A_23] : memref<10112x64xf32, #tpu.memory_space<vmem_shared>> -> memref<632x64xf32, #tpu.memory_space<vmem_shared>>
      tpu.enqueue_dma source(%dma_start3A_24 : memref<632x64xf32, #tpu.memory_space<vmem_shared>>) target(%dma_start3A_22 : memref<632x64xf32, #tpu.memory_space<hbm>>) target_semaphore(%run_scoped3A : memref<!tpu.dma_semaphore, #tpu.memory_space<semaphore_mem>>)
      %dma_wait3A_25 = arith.constant 0 : i32
      %dma_wait3A_26 = tpu.memref_slice %arg7[%arg0, %mul3A_0, %dma_wait3A_25] : memref<2x10112x64xf32, #tpu.memory_space<hbm>> -> memref<1x632x64xf32, #tpu.memory_space<hbm>>
      %dma_wait3A_27 = tpu.memref_squeeze %dma_wait3A_26 : memref<1x632x64xf32, #tpu.memory_space<hbm>> -> memref<632x64xf32, #tpu.memory_space<hbm>>
      %dma_wait3A_28 = arith.constant 0 : i32
      %dma_wait3A_29 = tpu.memref_slice %arg12[%mul3A_0, %dma_wait3A_28] : memref<10112x64xf32, #tpu.memory_space<vmem_shared>> -> memref<632x64xf32, #tpu.memory_space<vmem_shared>>
      tpu.wait_dma2 semaphore(%run_scoped3A : memref<!tpu.dma_semaphore, #tpu.memory_space<semaphore_mem>>) src(%dma_wait3A_29 : memref<632x64xf32, #tpu.memory_space<vmem_shared>>) dst(%dma_wait3A_27 : memref<632x64xf32, #tpu.memory_space<hbm>>)
      tpu.yield
    }) : () -> ()
    return
  }
}

#map = affine_map<(d0, d1) -> (0, 0)>
#map1 = affine_map<(d0, d1) -> (0, 0, 0)>
module attributes {stable_mosaic.version = 14 : i64} {
  func.func @sc_agg(%arg0: i32, %arg1: i32, %arg2: memref<10112x64xf32, #tpu.memory_space<hbm>>, %arg3: memref<10112x16xf32, #tpu.memory_space<hbm>>, %arg4: memref<10000x64xf32, #tpu.memory_space<hbm>>, %arg5: memref<10000x64xf32, #tpu.memory_space<hbm>>, %arg6: memref<16x158x128xi32, #tpu.memory_space<hbm>>, %arg7: memref<16x158x128xi32, #tpu.memory_space<hbm>>, %arg8: memref<2x10112x64xf32, #tpu.memory_space<hbm>>, %arg9: memref<2x10112x16xf32, #tpu.memory_space<hbm>>, %arg10: memref<159x128xi32, #tpu.memory_space<vmem>>, %arg11: memref<159x128xi32, #tpu.memory_space<vmem>>, %arg12: memref<128x64xf32, #tpu.memory_space<vmem>>, %arg13: memref<128x64xf32, #tpu.memory_space<vmem>>, %arg14: memref<10112x64xf32, #tpu.memory_space<vmem_shared>>, %arg15: memref<!tpu.dma_semaphore, #tpu.memory_space<semaphore_mem>>, %arg16: memref<!tpu.dma_semaphore, #tpu.memory_space<semaphore_mem>>, %arg17: memref<128x16xf32, #tpu.memory_space<vmem>>, %arg18: memref<10112x16xf32, #tpu.memory_space<vmem_shared>>) attributes {dimension_semantics = [#tpu.dimension_semantics<core_parallel>, #tpu.dimension_semantics<subcore_parallel>], iteration_bounds = array<i64: 2, 16>, scalar_prefetch = 0 : i64, scratch_operands = 9 : i64, tpu.core_type = #tpu.core_type<sc_vector_subcore>, window_params = [{transform_indices = #map}, {transform_indices = #map}, {transform_indices = #map}, {transform_indices = #map}, {transform_indices = #map1}, {transform_indices = #map1}, {transform_indices = #map1}, {transform_indices = #map1}]} {
    "tpu.region"() ({
      %run_scoped3A = tpu.sem_alloc : memref<!tpu.dma_semaphore, #tpu.memory_space<semaphore_mem>>
      %dma_start3A = arith.constant 0 : i32
      %dma_start3A_29 = arith.constant 0 : i32
      %dma_start3A_30 = tpu.memref_slice %arg10[%dma_start3A, %dma_start3A_29] : memref<159x128xi32, #tpu.memory_space<vmem>> -> memref<158x128xi32, #tpu.memory_space<vmem>>
      %dma_start3A_31 = arith.constant 0 : i32
      %dma_start3A_32 = arith.constant 0 : i32
      %dma_start3A_33 = tpu.memref_slice %arg6[%arg1, %dma_start3A_31, %dma_start3A_32] : memref<16x158x128xi32, #tpu.memory_space<hbm>> -> memref<1x158x128xi32, #tpu.memory_space<hbm>>
      %dma_start3A_34 = tpu.memref_squeeze %dma_start3A_33 : memref<1x158x128xi32, #tpu.memory_space<hbm>> -> memref<158x128xi32, #tpu.memory_space<hbm>>
      %dma_start3A_35 = arith.constant 0 : i32
      %dma_start3A_36 = arith.constant 0 : i32
      %dma_start3A_37 = tpu.memref_slice %arg10[%dma_start3A_35, %dma_start3A_36] : memref<159x128xi32, #tpu.memory_space<vmem>> -> memref<158x128xi32, #tpu.memory_space<vmem>>
      %dma_start3A_38 = arith.constant 0 : i32
      %dma_start3A_39 = arith.constant 0 : i32
      %dma_start3A_40 = tpu.memref_slice %arg6[%arg1, %dma_start3A_38, %dma_start3A_39] : memref<16x158x128xi32, #tpu.memory_space<hbm>> -> memref<1x158x128xi32, #tpu.memory_space<hbm>>
      %dma_start3A_41 = tpu.memref_squeeze %dma_start3A_40 : memref<1x158x128xi32, #tpu.memory_space<hbm>> -> memref<158x128xi32, #tpu.memory_space<hbm>>
      tpu.enqueue_dma source(%dma_start3A_41 : memref<158x128xi32, #tpu.memory_space<hbm>>) target(%dma_start3A_37 : memref<158x128xi32, #tpu.memory_space<vmem>>) target_semaphore(%run_scoped3A : memref<!tpu.dma_semaphore, #tpu.memory_space<semaphore_mem>>)
      %dma_wait3A_42 = arith.constant 0 : i32
      %dma_wait3A_43 = arith.constant 0 : i32
      %dma_wait3A_44 = tpu.memref_slice %arg10[%dma_wait3A_42, %dma_wait3A_43] : memref<159x128xi32, #tpu.memory_space<vmem>> -> memref<158x128xi32, #tpu.memory_space<vmem>>
      %dma_wait3A_45 = arith.constant 0 : i32
      %dma_wait3A_46 = arith.constant 0 : i32
      %dma_wait3A_47 = tpu.memref_slice %arg6[%arg1, %dma_wait3A_45, %dma_wait3A_46] : memref<16x158x128xi32, #tpu.memory_space<hbm>> -> memref<1x158x128xi32, #tpu.memory_space<hbm>>
      %dma_wait3A_48 = tpu.memref_squeeze %dma_wait3A_47 : memref<1x158x128xi32, #tpu.memory_space<hbm>> -> memref<158x128xi32, #tpu.memory_space<hbm>>
      %dma_wait3A_49 = arith.constant 0 : i32
      %dma_wait3A_50 = arith.constant 0 : i32
      %dma_wait3A_51 = tpu.memref_slice %arg10[%dma_wait3A_49, %dma_wait3A_50] : memref<159x128xi32, #tpu.memory_space<vmem>> -> memref<158x128xi32, #tpu.memory_space<vmem>>
      %dma_wait3A_52 = arith.constant 0 : i32
      %dma_wait3A_53 = arith.constant 0 : i32
      %dma_wait3A_54 = tpu.memref_slice %arg6[%arg1, %dma_wait3A_52, %dma_wait3A_53] : memref<16x158x128xi32, #tpu.memory_space<hbm>> -> memref<1x158x128xi32, #tpu.memory_space<hbm>>
      %dma_wait3A_55 = tpu.memref_squeeze %dma_wait3A_54 : memref<1x158x128xi32, #tpu.memory_space<hbm>> -> memref<158x128xi32, #tpu.memory_space<hbm>>
      tpu.wait_dma2 semaphore(%run_scoped3A : memref<!tpu.dma_semaphore, #tpu.memory_space<semaphore_mem>>) src(%dma_wait3A_55 : memref<158x128xi32, #tpu.memory_space<hbm>>) dst(%dma_wait3A_51 : memref<158x128xi32, #tpu.memory_space<vmem>>)
      tpu.yield
    }) : () -> ()
    "tpu.region"() ({
      %run_scoped3A = tpu.sem_alloc : memref<!tpu.dma_semaphore, #tpu.memory_space<semaphore_mem>>
      %dma_start3A = arith.constant 0 : i32
      %dma_start3A_29 = arith.constant 0 : i32
      %dma_start3A_30 = tpu.memref_slice %arg11[%dma_start3A, %dma_start3A_29] : memref<159x128xi32, #tpu.memory_space<vmem>> -> memref<158x128xi32, #tpu.memory_space<vmem>>
      %dma_start3A_31 = arith.constant 0 : i32
      %dma_start3A_32 = arith.constant 0 : i32
      %dma_start3A_33 = tpu.memref_slice %arg7[%arg1, %dma_start3A_31, %dma_start3A_32] : memref<16x158x128xi32, #tpu.memory_space<hbm>> -> memref<1x158x128xi32, #tpu.memory_space<hbm>>
      %dma_start3A_34 = tpu.memref_squeeze %dma_start3A_33 : memref<1x158x128xi32, #tpu.memory_space<hbm>> -> memref<158x128xi32, #tpu.memory_space<hbm>>
      %dma_start3A_35 = arith.constant 0 : i32
      %dma_start3A_36 = arith.constant 0 : i32
      %dma_start3A_37 = tpu.memref_slice %arg11[%dma_start3A_35, %dma_start3A_36] : memref<159x128xi32, #tpu.memory_space<vmem>> -> memref<158x128xi32, #tpu.memory_space<vmem>>
      %dma_start3A_38 = arith.constant 0 : i32
      %dma_start3A_39 = arith.constant 0 : i32
      %dma_start3A_40 = tpu.memref_slice %arg7[%arg1, %dma_start3A_38, %dma_start3A_39] : memref<16x158x128xi32, #tpu.memory_space<hbm>> -> memref<1x158x128xi32, #tpu.memory_space<hbm>>
      %dma_start3A_41 = tpu.memref_squeeze %dma_start3A_40 : memref<1x158x128xi32, #tpu.memory_space<hbm>> -> memref<158x128xi32, #tpu.memory_space<hbm>>
      tpu.enqueue_dma source(%dma_start3A_41 : memref<158x128xi32, #tpu.memory_space<hbm>>) target(%dma_start3A_37 : memref<158x128xi32, #tpu.memory_space<vmem>>) target_semaphore(%run_scoped3A : memref<!tpu.dma_semaphore, #tpu.memory_space<semaphore_mem>>)
      %dma_wait3A_42 = arith.constant 0 : i32
      %dma_wait3A_43 = arith.constant 0 : i32
      %dma_wait3A_44 = tpu.memref_slice %arg11[%dma_wait3A_42, %dma_wait3A_43] : memref<159x128xi32, #tpu.memory_space<vmem>> -> memref<158x128xi32, #tpu.memory_space<vmem>>
      %dma_wait3A_45 = arith.constant 0 : i32
      %dma_wait3A_46 = arith.constant 0 : i32
      %dma_wait3A_47 = tpu.memref_slice %arg7[%arg1, %dma_wait3A_45, %dma_wait3A_46] : memref<16x158x128xi32, #tpu.memory_space<hbm>> -> memref<1x158x128xi32, #tpu.memory_space<hbm>>
      %dma_wait3A_48 = tpu.memref_squeeze %dma_wait3A_47 : memref<1x158x128xi32, #tpu.memory_space<hbm>> -> memref<158x128xi32, #tpu.memory_space<hbm>>
      %dma_wait3A_49 = arith.constant 0 : i32
      %dma_wait3A_50 = arith.constant 0 : i32
      %dma_wait3A_51 = tpu.memref_slice %arg11[%dma_wait3A_49, %dma_wait3A_50] : memref<159x128xi32, #tpu.memory_space<vmem>> -> memref<158x128xi32, #tpu.memory_space<vmem>>
      %dma_wait3A_52 = arith.constant 0 : i32
      %dma_wait3A_53 = arith.constant 0 : i32
      %dma_wait3A_54 = tpu.memref_slice %arg7[%arg1, %dma_wait3A_52, %dma_wait3A_53] : memref<16x158x128xi32, #tpu.memory_space<hbm>> -> memref<1x158x128xi32, #tpu.memory_space<hbm>>
      %dma_wait3A_55 = tpu.memref_squeeze %dma_wait3A_54 : memref<1x158x128xi32, #tpu.memory_space<hbm>> -> memref<158x128xi32, #tpu.memory_space<hbm>>
      tpu.wait_dma2 semaphore(%run_scoped3A : memref<!tpu.dma_semaphore, #tpu.memory_space<semaphore_mem>>) src(%dma_wait3A_55 : memref<158x128xi32, #tpu.memory_space<hbm>>) dst(%dma_wait3A_51 : memref<158x128xi32, #tpu.memory_space<vmem>>)
      tpu.yield
    }) : () -> ()
    "tpu.region"() ({
      %run_scoped3A = tpu.sem_alloc : memref<!tpu.dma_semaphore, #tpu.memory_space<semaphore_mem>>
      %dma_start3A = arith.constant 158 : i32
      %dma_start3A_29 = arith.constant 0 : i32
      %dma_start3A_30 = tpu.memref_slice %arg10[%dma_start3A, %dma_start3A_29] : memref<159x128xi32, #tpu.memory_space<vmem>> -> memref<1x128xi32, #tpu.memory_space<vmem>>
      %dma_start3A_31 = arith.constant 0 : i32
      %dma_start3A_32 = arith.constant 0 : i32
      %dma_start3A_33 = tpu.memref_slice %arg6[%arg1, %dma_start3A_31, %dma_start3A_32] : memref<16x158x128xi32, #tpu.memory_space<hbm>> -> memref<1x1x128xi32, #tpu.memory_space<hbm>>
      %dma_start3A_34 = tpu.memref_squeeze %dma_start3A_33 : memref<1x1x128xi32, #tpu.memory_space<hbm>> -> memref<1x128xi32, #tpu.memory_space<hbm>>
      %dma_start3A_35 = arith.constant 158 : i32
      %dma_start3A_36 = arith.constant 0 : i32
      %dma_start3A_37 = tpu.memref_slice %arg10[%dma_start3A_35, %dma_start3A_36] : memref<159x128xi32, #tpu.memory_space<vmem>> -> memref<1x128xi32, #tpu.memory_space<vmem>>
      %dma_start3A_38 = arith.constant 0 : i32
      %dma_start3A_39 = arith.constant 0 : i32
      %dma_start3A_40 = tpu.memref_slice %arg6[%arg1, %dma_start3A_38, %dma_start3A_39] : memref<16x158x128xi32, #tpu.memory_space<hbm>> -> memref<1x1x128xi32, #tpu.memory_space<hbm>>
      %dma_start3A_41 = tpu.memref_squeeze %dma_start3A_40 : memref<1x1x128xi32, #tpu.memory_space<hbm>> -> memref<1x128xi32, #tpu.memory_space<hbm>>
      tpu.enqueue_dma source(%dma_start3A_41 : memref<1x128xi32, #tpu.memory_space<hbm>>) target(%dma_start3A_37 : memref<1x128xi32, #tpu.memory_space<vmem>>) target_semaphore(%run_scoped3A : memref<!tpu.dma_semaphore, #tpu.memory_space<semaphore_mem>>)
      %dma_wait3A_42 = arith.constant 158 : i32
      %dma_wait3A_43 = arith.constant 0 : i32
      %dma_wait3A_44 = tpu.memref_slice %arg10[%dma_wait3A_42, %dma_wait3A_43] : memref<159x128xi32, #tpu.memory_space<vmem>> -> memref<1x128xi32, #tpu.memory_space<vmem>>
      %dma_wait3A_45 = arith.constant 0 : i32
      %dma_wait3A_46 = arith.constant 0 : i32
      %dma_wait3A_47 = tpu.memref_slice %arg6[%arg1, %dma_wait3A_45, %dma_wait3A_46] : memref<16x158x128xi32, #tpu.memory_space<hbm>> -> memref<1x1x128xi32, #tpu.memory_space<hbm>>
      %dma_wait3A_48 = tpu.memref_squeeze %dma_wait3A_47 : memref<1x1x128xi32, #tpu.memory_space<hbm>> -> memref<1x128xi32, #tpu.memory_space<hbm>>
      %dma_wait3A_49 = arith.constant 158 : i32
      %dma_wait3A_50 = arith.constant 0 : i32
      %dma_wait3A_51 = tpu.memref_slice %arg10[%dma_wait3A_49, %dma_wait3A_50] : memref<159x128xi32, #tpu.memory_space<vmem>> -> memref<1x128xi32, #tpu.memory_space<vmem>>
      %dma_wait3A_52 = arith.constant 0 : i32
      %dma_wait3A_53 = arith.constant 0 : i32
      %dma_wait3A_54 = tpu.memref_slice %arg6[%arg1, %dma_wait3A_52, %dma_wait3A_53] : memref<16x158x128xi32, #tpu.memory_space<hbm>> -> memref<1x1x128xi32, #tpu.memory_space<hbm>>
      %dma_wait3A_55 = tpu.memref_squeeze %dma_wait3A_54 : memref<1x1x128xi32, #tpu.memory_space<hbm>> -> memref<1x128xi32, #tpu.memory_space<hbm>>
      tpu.wait_dma2 semaphore(%run_scoped3A : memref<!tpu.dma_semaphore, #tpu.memory_space<semaphore_mem>>) src(%dma_wait3A_55 : memref<1x128xi32, #tpu.memory_space<hbm>>) dst(%dma_wait3A_51 : memref<1x128xi32, #tpu.memory_space<vmem>>)
      tpu.yield
    }) : () -> ()
    %mul3A = arith.constant 632 : i32
    %mul3A_0 = arith.muli %arg1, %mul3A : i32
    "tpu.region"() ({
      %run_scoped3A = tpu.sem_alloc : memref<!tpu.dma_semaphore, #tpu.memory_space<semaphore_mem>>
      %dma_start3A = arith.constant 0 : i32
      %dma_start3A_29 = tpu.memref_slice %arg14[%mul3A_0, %dma_start3A] : memref<10112x64xf32, #tpu.memory_space<vmem_shared>> -> memref<632x64xf32, #tpu.memory_space<vmem_shared>>
      %dma_start3A_30 = arith.constant 0 : i32
      %dma_start3A_31 = tpu.memref_slice %arg2[%mul3A_0, %dma_start3A_30] : memref<10112x64xf32, #tpu.memory_space<hbm>> -> memref<632x64xf32, #tpu.memory_space<hbm>>
      tpu.enqueue_dma source(%dma_start3A_31 : memref<632x64xf32, #tpu.memory_space<hbm>>) target(%dma_start3A_29 : memref<632x64xf32, #tpu.memory_space<vmem_shared>>) target_semaphore(%run_scoped3A : memref<!tpu.dma_semaphore, #tpu.memory_space<semaphore_mem>>)
      %dma_wait3A_32 = arith.constant 0 : i32
      %dma_wait3A_33 = tpu.memref_slice %arg14[%mul3A_0, %dma_wait3A_32] : memref<10112x64xf32, #tpu.memory_space<vmem_shared>> -> memref<632x64xf32, #tpu.memory_space<vmem_shared>>
      %dma_wait3A_34 = arith.constant 0 : i32
      %dma_wait3A_35 = tpu.memref_slice %arg2[%mul3A_0, %dma_wait3A_34] : memref<10112x64xf32, #tpu.memory_space<hbm>> -> memref<632x64xf32, #tpu.memory_space<hbm>>
      tpu.wait_dma2 semaphore(%run_scoped3A : memref<!tpu.dma_semaphore, #tpu.memory_space<semaphore_mem>>) src(%dma_wait3A_35 : memref<632x64xf32, #tpu.memory_space<hbm>>) dst(%dma_wait3A_33 : memref<632x64xf32, #tpu.memory_space<vmem_shared>>)
      tpu.yield
    }) : () -> ()
    "tpu.region"() ({
      %run_scoped3A = tpu.sem_alloc : memref<!tpu.dma_semaphore, #tpu.memory_space<semaphore_mem>>
      %dma_start3A = arith.constant 0 : i32
      %dma_start3A_29 = tpu.memref_slice %arg18[%mul3A_0, %dma_start3A] : memref<10112x16xf32, #tpu.memory_space<vmem_shared>> -> memref<632x16xf32, #tpu.memory_space<vmem_shared>>
      %dma_start3A_30 = arith.constant 0 : i32
      %dma_start3A_31 = tpu.memref_slice %arg3[%mul3A_0, %dma_start3A_30] : memref<10112x16xf32, #tpu.memory_space<hbm>> -> memref<632x16xf32, #tpu.memory_space<hbm>>
      tpu.enqueue_dma source(%dma_start3A_31 : memref<632x16xf32, #tpu.memory_space<hbm>>) target(%dma_start3A_29 : memref<632x16xf32, #tpu.memory_space<vmem_shared>>) target_semaphore(%run_scoped3A : memref<!tpu.dma_semaphore, #tpu.memory_space<semaphore_mem>>)
      %dma_wait3A_32 = arith.constant 0 : i32
      %dma_wait3A_33 = tpu.memref_slice %arg18[%mul3A_0, %dma_wait3A_32] : memref<10112x16xf32, #tpu.memory_space<vmem_shared>> -> memref<632x16xf32, #tpu.memory_space<vmem_shared>>
      %dma_wait3A_34 = arith.constant 0 : i32
      %dma_wait3A_35 = tpu.memref_slice %arg3[%mul3A_0, %dma_wait3A_34] : memref<10112x16xf32, #tpu.memory_space<hbm>> -> memref<632x16xf32, #tpu.memory_space<hbm>>
      tpu.wait_dma2 semaphore(%run_scoped3A : memref<!tpu.dma_semaphore, #tpu.memory_space<semaphore_mem>>) src(%dma_wait3A_35 : memref<632x16xf32, #tpu.memory_space<hbm>>) dst(%dma_wait3A_33 : memref<632x16xf32, #tpu.memory_space<vmem_shared>>)
      tpu.yield
    }) : () -> ()
    %broadcast_in_dim3A = arith.constant 1.000000e+00 : f32
    %broadcast_in_dim3A_1 = vector.broadcast %broadcast_in_dim3A : f32 to vector<16xf32>
    %scan3A = arith.constant 0 : i32
    %scan3A_2 = arith.constant 0 : i32
    %scan3A_3 = arith.constant 128 : i32
    %scan3A_4 = arith.addi %scan3A_2, %scan3A_3 : i32
    %scan3A_5 = arith.constant 1 : i32
    %scan3A_6 = scf.for %scan3A_29 = %scan3A_2 to %scan3A_4 step %scan3A_5 iter_args(%scan3A_30 = %scan3A) -> (i32)  : i32 {
      %swap3A = arith.index_cast %scan3A_29 : i32 to index
      %swap3A_31 = arith.constant 0 : index
      %swap3A_32 = tpu.vector_load %arg17[%swap3A, %swap3A_31] {strides = array<i32>} : memref<128x16xf32, #tpu.memory_space<vmem>>, vector<1x16xf32>,
      %swap3A_33 = vector.shape_cast %swap3A_32 : vector<1x16xf32> to vector<16xf32>
      %swap3A_34 = vector.shape_cast %broadcast_in_dim3A_1 : vector<16xf32> to vector<1x16xf32>
      tpu.vector_store %arg17[%swap3A, %swap3A_31], %swap3A_34 {strides = array<i32>} : memref<128x16xf32, #tpu.memory_space<vmem>>, vector<1x16xf32>,
      %scan3A_35 = arith.constant 0 : i32
      scf.yield %scan3A_35 : i32
    }
    %scan3A_7 = arith.constant 128 : i32
    %barrier3A = arith.constant 0 : index
    tpu.barrier barrier_id(%barrier3A)
    %eq3A = arith.constant 0 : i32
    %eq3A_8 = arith.cmpi eq, %arg0, %eq3A : i32
    %convert_element_type3A = arith.extui %eq3A_8 : i1 to i32
    %cond3A = arith.constant 0 : i32
    %cond3A_9 = arith.cmpi ne, %convert_element_type3A, %cond3A : i32
    scf.if %cond3A_9 {
      %dma_start3A = arith.constant 0 : i32
      %dma_start3A_29 = arith.constant 0 : i32
      %dma_start3A_30 = tpu.memref_slice %arg10[%dma_start3A, %dma_start3A_29] : memref<159x128xi32, #tpu.memory_space<vmem>> -> memref<1x128xi32, #tpu.memory_space<vmem>>
      %dma_start3A_31 = tpu.memref_squeeze %dma_start3A_30 : memref<1x128xi32, #tpu.memory_space<vmem>> -> memref<128xi32, #tpu.memory_space<vmem>>
      %dma_start3A_32 = arith.constant 0 : i32
      %dma_start3A_33 = arith.constant 0 : i32
      %dma_start3A_34 = tpu.memref_slice %arg4[%dma_start3A_32, %dma_start3A_33] : memref<10000x64xf32, #tpu.memory_space<hbm>> -> memref<10000x64xf32, #tpu.memory_space<hbm>>
      tpu.enqueue_indirect_dma source(%dma_start3A_34 : memref<10000x64xf32, #tpu.memory_space<hbm>>) target(%arg12 : memref<128x64xf32, #tpu.memory_space<vmem>>) offsets(%dma_start3A_31 : memref<128xi32, #tpu.memory_space<vmem>>) semaphore(%arg15 : memref<!tpu.dma_semaphore, #tpu.memory_space<semaphore_mem>>)
    } else {
    }
    %eq3A_10 = arith.constant 1 : i32
    %eq3A_11 = arith.cmpi eq, %arg0, %eq3A_10 : i32
    %convert_element_type3A_12 = arith.extui %eq3A_11 : i1 to i32
    %cond3A_13 = arith.constant 0 : i32
    %cond3A_14 = arith.cmpi ne, %convert_element_type3A_12, %cond3A_13 : i32
    scf.if %cond3A_14 {
      %dma_start3A = arith.constant 0 : i32
      %dma_start3A_29 = arith.constant 0 : i32
      %dma_start3A_30 = tpu.memref_slice %arg10[%dma_start3A, %dma_start3A_29] : memref<159x128xi32, #tpu.memory_space<vmem>> -> memref<1x128xi32, #tpu.memory_space<vmem>>
      %dma_start3A_31 = tpu.memref_squeeze %dma_start3A_30 : memref<1x128xi32, #tpu.memory_space<vmem>> -> memref<128xi32, #tpu.memory_space<vmem>>
      %dma_start3A_32 = arith.constant 0 : i32
      %dma_start3A_33 = arith.constant 0 : i32
      %dma_start3A_34 = tpu.memref_slice %arg5[%dma_start3A_32, %dma_start3A_33] : memref<10000x64xf32, #tpu.memory_space<hbm>> -> memref<10000x64xf32, #tpu.memory_space<hbm>>
      tpu.enqueue_indirect_dma source(%dma_start3A_34 : memref<10000x64xf32, #tpu.memory_space<hbm>>) target(%arg12 : memref<128x64xf32, #tpu.memory_space<vmem>>) offsets(%dma_start3A_31 : memref<128xi32, #tpu.memory_space<vmem>>) semaphore(%arg15 : memref<!tpu.dma_semaphore, #tpu.memory_space<semaphore_mem>>)
    } else {
    }
    %scan3A_15 = arith.constant 0 : i32
    %scan3A_16 = arith.constant 0 : i32
    %scan3A_17 = arith.constant 79 : i32
    %scan3A_18 = arith.addi %scan3A_16, %scan3A_17 : i32
    %scan3A_19 = arith.constant 1 : i32
    %scan3A_20 = scf.for %scan3A_29 = %scan3A_16 to %scan3A_18 step %scan3A_19 iter_args(%scan3A_30 = %scan3A_15) -> (i32)  : i32 {
      %mul3A_31 = arith.constant 2 : i32
      %mul3A_32 = arith.muli %mul3A_31, %scan3A_29 : i32
      %add3A = arith.constant 1 : i32
      %add3A_33 = arith.addi %mul3A_32, %add3A : i32
      %eq3A_34 = arith.constant 0 : i32
      %eq3A_35 = arith.cmpi eq, %arg0, %eq3A_34 : i32
      %convert_element_type3A_36 = arith.extui %eq3A_35 : i1 to i32
      %cond3A_37 = arith.constant 0 : i32
      %cond3A_38 = arith.cmpi ne, %convert_element_type3A_36, %cond3A_37 : i32
      scf.if %cond3A_38 {
        %dma_start3A = arith.constant 0 : i32
        %dma_start3A_83 = tpu.memref_slice %arg10[%add3A_33, %dma_start3A] : memref<159x128xi32, #tpu.memory_space<vmem>> -> memref<1x128xi32, #tpu.memory_space<vmem>>
        %dma_start3A_84 = tpu.memref_squeeze %dma_start3A_83 : memref<1x128xi32, #tpu.memory_space<vmem>> -> memref<128xi32, #tpu.memory_space<vmem>>
        %dma_start3A_85 = arith.constant 0 : i32
        %dma_start3A_86 = arith.constant 0 : i32
        %dma_start3A_87 = tpu.memref_slice %arg4[%dma_start3A_85, %dma_start3A_86] : memref<10000x64xf32, #tpu.memory_space<hbm>> -> memref<10000x64xf32, #tpu.memory_space<hbm>>
        tpu.enqueue_indirect_dma source(%dma_start3A_87 : memref<10000x64xf32, #tpu.memory_space<hbm>>) target(%arg13 : memref<128x64xf32, #tpu.memory_space<vmem>>) offsets(%dma_start3A_84 : memref<128xi32, #tpu.memory_space<vmem>>) semaphore(%arg16 : memref<!tpu.dma_semaphore, #tpu.memory_space<semaphore_mem>>)
      } else {
      }
      %eq3A_39 = arith.constant 1 : i32
      %eq3A_40 = arith.cmpi eq, %arg0, %eq3A_39 : i32
      %convert_element_type3A_41 = arith.extui %eq3A_40 : i1 to i32
      %cond3A_42 = arith.constant 0 : i32
      %cond3A_43 = arith.cmpi ne, %convert_element_type3A_41, %cond3A_42 : i32
      scf.if %cond3A_43 {
        %dma_start3A = arith.constant 0 : i32
        %dma_start3A_83 = tpu.memref_slice %arg10[%add3A_33, %dma_start3A] : memref<159x128xi32, #tpu.memory_space<vmem>> -> memref<1x128xi32, #tpu.memory_space<vmem>>
        %dma_start3A_84 = tpu.memref_squeeze %dma_start3A_83 : memref<1x128xi32, #tpu.memory_space<vmem>> -> memref<128xi32, #tpu.memory_space<vmem>>
        %dma_start3A_85 = arith.constant 0 : i32
        %dma_start3A_86 = arith.constant 0 : i32
        %dma_start3A_87 = tpu.memref_slice %arg5[%dma_start3A_85, %dma_start3A_86] : memref<10000x64xf32, #tpu.memory_space<hbm>> -> memref<10000x64xf32, #tpu.memory_space<hbm>>
        tpu.enqueue_indirect_dma source(%dma_start3A_87 : memref<10000x64xf32, #tpu.memory_space<hbm>>) target(%arg13 : memref<128x64xf32, #tpu.memory_space<vmem>>) offsets(%dma_start3A_84 : memref<128xi32, #tpu.memory_space<vmem>>) semaphore(%arg16 : memref<!tpu.dma_semaphore, #tpu.memory_space<semaphore_mem>>)
      } else {
      }
      %dma_wait3A_44 = arith.constant 0 : i32
      %dma_wait3A_45 = arith.constant 0 : i32
      %dma_wait3A_46 = tpu.memref_slice %arg10[%dma_wait3A_44, %dma_wait3A_45] : memref<159x128xi32, #tpu.memory_space<vmem>> -> memref<1x128xi32, #tpu.memory_space<vmem>>
      %dma_wait3A_47 = tpu.memref_squeeze %dma_wait3A_46 : memref<1x128xi32, #tpu.memory_space<vmem>> -> memref<128xi32, #tpu.memory_space<vmem>>
      %dma_wait3A_48 = arith.constant 0 : i32
      %dma_wait3A_49 = arith.constant 0 : i32
      %dma_wait3A_50 = tpu.memref_slice %arg4[%dma_wait3A_48, %dma_wait3A_49] : memref<10000x64xf32, #tpu.memory_space<hbm>> -> memref<10000x64xf32, #tpu.memory_space<hbm>>
      tpu.wait_indirect_dma semaphore(%arg15 : memref<!tpu.dma_semaphore, #tpu.memory_space<semaphore_mem>>) src(%dma_wait3A_50 : memref<10000x64xf32, #tpu.memory_space<hbm>>) dst(%arg12 : memref<128x64xf32, #tpu.memory_space<vmem>>)
      "tpu.region"() ({
        %run_scoped3A = tpu.sem_alloc : memref<!tpu.dma_semaphore, #tpu.memory_space<semaphore_mem>>
        %dma_start3A = arith.constant 0 : i32
        %dma_start3A_83 = tpu.memref_slice %arg11[%mul3A_32, %dma_start3A] : memref<159x128xi32, #tpu.memory_space<vmem>> -> memref<1x128xi32, #tpu.memory_space<vmem>>
        %dma_start3A_84 = tpu.memref_squeeze %dma_start3A_83 : memref<1x128xi32, #tpu.memory_space<vmem>> -> memref<128xi32, #tpu.memory_space<vmem>>
        %dma_start3A_85 = arith.constant 0 : i32
        %dma_start3A_86 = arith.constant 0 : i32
        %dma_start3A_87 = tpu.memref_slice %arg14[%dma_start3A_85, %dma_start3A_86] : memref<10112x64xf32, #tpu.memory_space<vmem_shared>> -> memref<10112x64xf32, #tpu.memory_space<vmem_shared>>
        tpu.enqueue_indirect_dma source(%arg12 : memref<128x64xf32, #tpu.memory_space<vmem>>) target(%dma_start3A_87 : memref<10112x64xf32, #tpu.memory_space<vmem_shared>>) offsets(%dma_start3A_84 : memref<128xi32, #tpu.memory_space<vmem>>) semaphore(%run_scoped3A : memref<!tpu.dma_semaphore, #tpu.memory_space<semaphore_mem>>) {add = true}
        %dma_wait3A_88 = arith.constant 0 : i32
        %dma_wait3A_89 = tpu.memref_slice %arg11[%mul3A_32, %dma_wait3A_88] : memref<159x128xi32, #tpu.memory_space<vmem>> -> memref<1x128xi32, #tpu.memory_space<vmem>>
        %dma_wait3A_90 = tpu.memref_squeeze %dma_wait3A_89 : memref<1x128xi32, #tpu.memory_space<vmem>> -> memref<128xi32, #tpu.memory_space<vmem>>
        %dma_wait3A_91 = arith.constant 0 : i32
        %dma_wait3A_92 = arith.constant 0 : i32
        %dma_wait3A_93 = tpu.memref_slice %arg14[%dma_wait3A_91, %dma_wait3A_92] : memref<10112x64xf32, #tpu.memory_space<vmem_shared>> -> memref<10112x64xf32, #tpu.memory_space<vmem_shared>>
        tpu.wait_indirect_dma semaphore(%run_scoped3A : memref<!tpu.dma_semaphore, #tpu.memory_space<semaphore_mem>>) src(%arg12 : memref<128x64xf32, #tpu.memory_space<vmem>>) dst(%dma_wait3A_93 : memref<10112x64xf32, #tpu.memory_space<vmem_shared>>)
        tpu.yield
      }) : () -> ()
      %eq3A_51 = arith.constant 0 : i32
      %eq3A_52 = arith.cmpi eq, %arg0, %eq3A_51 : i32
      %convert_element_type3A_53 = arith.extui %eq3A_52 : i1 to i32
      %cond3A_54 = arith.constant 0 : i32
      %cond3A_55 = arith.cmpi ne, %convert_element_type3A_53, %cond3A_54 : i32
      scf.if %cond3A_55 {
        "tpu.region"() ({
          %run_scoped3A = tpu.sem_alloc : memref<!tpu.dma_semaphore, #tpu.memory_space<semaphore_mem>>
          %dma_start3A = arith.constant 0 : i32
          %dma_start3A_83 = tpu.memref_slice %arg11[%mul3A_32, %dma_start3A] : memref<159x128xi32, #tpu.memory_space<vmem>> -> memref<1x128xi32, #tpu.memory_space<vmem>>
          %dma_start3A_84 = tpu.memref_squeeze %dma_start3A_83 : memref<1x128xi32, #tpu.memory_space<vmem>> -> memref<128xi32, #tpu.memory_space<vmem>>
          %dma_start3A_85 = arith.constant 0 : i32
          %dma_start3A_86 = arith.constant 0 : i32
          %dma_start3A_87 = tpu.memref_slice %arg18[%dma_start3A_85, %dma_start3A_86] : memref<10112x16xf32, #tpu.memory_space<vmem_shared>> -> memref<10112x16xf32, #tpu.memory_space<vmem_shared>>
          tpu.enqueue_indirect_dma source(%arg17 : memref<128x16xf32, #tpu.memory_space<vmem>>) target(%dma_start3A_87 : memref<10112x16xf32, #tpu.memory_space<vmem_shared>>) offsets(%dma_start3A_84 : memref<128xi32, #tpu.memory_space<vmem>>) semaphore(%run_scoped3A : memref<!tpu.dma_semaphore, #tpu.memory_space<semaphore_mem>>) {add = true}
          %dma_wait3A_88 = arith.constant 0 : i32
          %dma_wait3A_89 = tpu.memref_slice %arg11[%mul3A_32, %dma_wait3A_88] : memref<159x128xi32, #tpu.memory_space<vmem>> -> memref<1x128xi32, #tpu.memory_space<vmem>>
          %dma_wait3A_90 = tpu.memref_squeeze %dma_wait3A_89 : memref<1x128xi32, #tpu.memory_space<vmem>> -> memref<128xi32, #tpu.memory_space<vmem>>
          %dma_wait3A_91 = arith.constant 0 : i32
          %dma_wait3A_92 = arith.constant 0 : i32
          %dma_wait3A_93 = tpu.memref_slice %arg18[%dma_wait3A_91, %dma_wait3A_92] : memref<10112x16xf32, #tpu.memory_space<vmem_shared>> -> memref<10112x16xf32, #tpu.memory_space<vmem_shared>>
          tpu.wait_indirect_dma semaphore(%run_scoped3A : memref<!tpu.dma_semaphore, #tpu.memory_space<semaphore_mem>>) src(%arg17 : memref<128x16xf32, #tpu.memory_space<vmem>>) dst(%dma_wait3A_93 : memref<10112x16xf32, #tpu.memory_space<vmem_shared>>)
          tpu.yield
        }) : () -> ()
      } else {
      }
      %add3A_56 = arith.constant 2 : i32
      %add3A_57 = arith.addi %mul3A_32, %add3A_56 : i32
      %eq3A_58 = arith.constant 0 : i32
      %eq3A_59 = arith.cmpi eq, %arg0, %eq3A_58 : i32
      %convert_element_type3A_60 = arith.extui %eq3A_59 : i1 to i32
      %cond3A_61 = arith.constant 0 : i32
      %cond3A_62 = arith.cmpi ne, %convert_element_type3A_60, %cond3A_61 : i32
      scf.if %cond3A_62 {
        %dma_start3A = arith.constant 0 : i32
        %dma_start3A_83 = tpu.memref_slice %arg10[%add3A_57, %dma_start3A] : memref<159x128xi32, #tpu.memory_space<vmem>> -> memref<1x128xi32, #tpu.memory_space<vmem>>
        %dma_start3A_84 = tpu.memref_squeeze %dma_start3A_83 : memref<1x128xi32, #tpu.memory_space<vmem>> -> memref<128xi32, #tpu.memory_space<vmem>>
        %dma_start3A_85 = arith.constant 0 : i32
        %dma_start3A_86 = arith.constant 0 : i32
        %dma_start3A_87 = tpu.memref_slice %arg4[%dma_start3A_85, %dma_start3A_86] : memref<10000x64xf32, #tpu.memory_space<hbm>> -> memref<10000x64xf32, #tpu.memory_space<hbm>>
        tpu.enqueue_indirect_dma source(%dma_start3A_87 : memref<10000x64xf32, #tpu.memory_space<hbm>>) target(%arg12 : memref<128x64xf32, #tpu.memory_space<vmem>>) offsets(%dma_start3A_84 : memref<128xi32, #tpu.memory_space<vmem>>) semaphore(%arg15 : memref<!tpu.dma_semaphore, #tpu.memory_space<semaphore_mem>>)
      } else {
      }
      %eq3A_63 = arith.constant 1 : i32
      %eq3A_64 = arith.cmpi eq, %arg0, %eq3A_63 : i32
      %convert_element_type3A_65 = arith.extui %eq3A_64 : i1 to i32
      %cond3A_66 = arith.constant 0 : i32
      %cond3A_67 = arith.cmpi ne, %convert_element_type3A_65, %cond3A_66 : i32
      scf.if %cond3A_67 {
        %dma_start3A = arith.constant 0 : i32
        %dma_start3A_83 = tpu.memref_slice %arg10[%add3A_57, %dma_start3A] : memref<159x128xi32, #tpu.memory_space<vmem>> -> memref<1x128xi32, #tpu.memory_space<vmem>>
        %dma_start3A_84 = tpu.memref_squeeze %dma_start3A_83 : memref<1x128xi32, #tpu.memory_space<vmem>> -> memref<128xi32, #tpu.memory_space<vmem>>
        %dma_start3A_85 = arith.constant 0 : i32
        %dma_start3A_86 = arith.constant 0 : i32
        %dma_start3A_87 = tpu.memref_slice %arg5[%dma_start3A_85, %dma_start3A_86] : memref<10000x64xf32, #tpu.memory_space<hbm>> -> memref<10000x64xf32, #tpu.memory_space<hbm>>
        tpu.enqueue_indirect_dma source(%dma_start3A_87 : memref<10000x64xf32, #tpu.memory_space<hbm>>) target(%arg12 : memref<128x64xf32, #tpu.memory_space<vmem>>) offsets(%dma_start3A_84 : memref<128xi32, #tpu.memory_space<vmem>>) semaphore(%arg15 : memref<!tpu.dma_semaphore, #tpu.memory_space<semaphore_mem>>)
      } else {
      }
      %dma_wait3A_68 = arith.constant 0 : i32
      %dma_wait3A_69 = arith.constant 0 : i32
      %dma_wait3A_70 = tpu.memref_slice %arg10[%dma_wait3A_68, %dma_wait3A_69] : memref<159x128xi32, #tpu.memory_space<vmem>> -> memref<1x128xi32, #tpu.memory_space<vmem>>
      %dma_wait3A_71 = tpu.memref_squeeze %dma_wait3A_70 : memref<1x128xi32, #tpu.memory_space<vmem>> -> memref<128xi32, #tpu.memory_space<vmem>>
      %dma_wait3A_72 = arith.constant 0 : i32
      %dma_wait3A_73 = arith.constant 0 : i32
      %dma_wait3A_74 = tpu.memref_slice %arg4[%dma_wait3A_72, %dma_wait3A_73] : memref<10000x64xf32, #tpu.memory_space<hbm>> -> memref<10000x64xf32, #tpu.memory_space<hbm>>
      tpu.wait_indirect_dma semaphore(%arg16 : memref<!tpu.dma_semaphore, #tpu.memory_space<semaphore_mem>>) src(%dma_wait3A_74 : memref<10000x64xf32, #tpu.memory_space<hbm>>) dst(%arg13 : memref<128x64xf32, #tpu.memory_space<vmem>>)
      %add3A_75 = arith.constant 1 : i32
      %add3A_76 = arith.addi %mul3A_32, %add3A_75 : i32
      "tpu.region"() ({
        %run_scoped3A = tpu.sem_alloc : memref<!tpu.dma_semaphore, #tpu.memory_space<semaphore_mem>>
        %dma_start3A = arith.constant 0 : i32
        %dma_start3A_83 = tpu.memref_slice %arg11[%add3A_76, %dma_start3A] : memref<159x128xi32, #tpu.memory_space<vmem>> -> memref<1x128xi32, #tpu.memory_space<vmem>>
        %dma_start3A_84 = tpu.memref_squeeze %dma_start3A_83 : memref<1x128xi32, #tpu.memory_space<vmem>> -> memref<128xi32, #tpu.memory_space<vmem>>
        %dma_start3A_85 = arith.constant 0 : i32
        %dma_start3A_86 = arith.constant 0 : i32
        %dma_start3A_87 = tpu.memref_slice %arg14[%dma_start3A_85, %dma_start3A_86] : memref<10112x64xf32, #tpu.memory_space<vmem_shared>> -> memref<10112x64xf32, #tpu.memory_space<vmem_shared>>
        tpu.enqueue_indirect_dma source(%arg13 : memref<128x64xf32, #tpu.memory_space<vmem>>) target(%dma_start3A_87 : memref<10112x64xf32, #tpu.memory_space<vmem_shared>>) offsets(%dma_start3A_84 : memref<128xi32, #tpu.memory_space<vmem>>) semaphore(%run_scoped3A : memref<!tpu.dma_semaphore, #tpu.memory_space<semaphore_mem>>) {add = true}
        %dma_wait3A_88 = arith.constant 0 : i32
        %dma_wait3A_89 = tpu.memref_slice %arg11[%add3A_76, %dma_wait3A_88] : memref<159x128xi32, #tpu.memory_space<vmem>> -> memref<1x128xi32, #tpu.memory_space<vmem>>
        %dma_wait3A_90 = tpu.memref_squeeze %dma_wait3A_89 : memref<1x128xi32, #tpu.memory_space<vmem>> -> memref<128xi32, #tpu.memory_space<vmem>>
        %dma_wait3A_91 = arith.constant 0 : i32
        %dma_wait3A_92 = arith.constant 0 : i32
        %dma_wait3A_93 = tpu.memref_slice %arg14[%dma_wait3A_91, %dma_wait3A_92] : memref<10112x64xf32, #tpu.memory_space<vmem_shared>> -> memref<10112x64xf32, #tpu.memory_space<vmem_shared>>
        tpu.wait_indirect_dma semaphore(%run_scoped3A : memref<!tpu.dma_semaphore, #tpu.memory_space<semaphore_mem>>) src(%arg13 : memref<128x64xf32, #tpu.memory_space<vmem>>) dst(%dma_wait3A_93 : memref<10112x64xf32, #tpu.memory_space<vmem_shared>>)
        tpu.yield
      }) : () -> ()
      %eq3A_77 = arith.constant 1 : i32
      %eq3A_78 = arith.cmpi eq, %arg0, %eq3A_77 : i32
      %convert_element_type3A_79 = arith.extui %eq3A_78 : i1 to i32
      %cond3A_80 = arith.constant 0 : i32
      %cond3A_81 = arith.cmpi ne, %convert_element_type3A_79, %cond3A_80 : i32
      scf.if %cond3A_81 {
        %add3A_83 = arith.constant 1 : i32
        %add3A_84 = arith.addi %mul3A_32, %add3A_83 : i32
        "tpu.region"() ({
          %run_scoped3A = tpu.sem_alloc : memref<!tpu.dma_semaphore, #tpu.memory_space<semaphore_mem>>
          %dma_start3A = arith.constant 0 : i32
          %dma_start3A_85 = tpu.memref_slice %arg11[%add3A_84, %dma_start3A] : memref<159x128xi32, #tpu.memory_space<vmem>> -> memref<1x128xi32, #tpu.memory_space<vmem>>
          %dma_start3A_86 = tpu.memref_squeeze %dma_start3A_85 : memref<1x128xi32, #tpu.memory_space<vmem>> -> memref<128xi32, #tpu.memory_space<vmem>>
          %dma_start3A_87 = arith.constant 0 : i32
          %dma_start3A_88 = arith.constant 0 : i32
          %dma_start3A_89 = tpu.memref_slice %arg18[%dma_start3A_87, %dma_start3A_88] : memref<10112x16xf32, #tpu.memory_space<vmem_shared>> -> memref<10112x16xf32, #tpu.memory_space<vmem_shared>>
          tpu.enqueue_indirect_dma source(%arg17 : memref<128x16xf32, #tpu.memory_space<vmem>>) target(%dma_start3A_89 : memref<10112x16xf32, #tpu.memory_space<vmem_shared>>) offsets(%dma_start3A_86 : memref<128xi32, #tpu.memory_space<vmem>>) semaphore(%run_scoped3A : memref<!tpu.dma_semaphore, #tpu.memory_space<semaphore_mem>>) {add = true}
          %dma_wait3A_90 = arith.constant 0 : i32
          %dma_wait3A_91 = tpu.memref_slice %arg11[%add3A_84, %dma_wait3A_90] : memref<159x128xi32, #tpu.memory_space<vmem>> -> memref<1x128xi32, #tpu.memory_space<vmem>>
          %dma_wait3A_92 = tpu.memref_squeeze %dma_wait3A_91 : memref<1x128xi32, #tpu.memory_space<vmem>> -> memref<128xi32, #tpu.memory_space<vmem>>
          %dma_wait3A_93 = arith.constant 0 : i32
          %dma_wait3A_94 = arith.constant 0 : i32
          %dma_wait3A_95 = tpu.memref_slice %arg18[%dma_wait3A_93, %dma_wait3A_94] : memref<10112x16xf32, #tpu.memory_space<vmem_shared>> -> memref<10112x16xf32, #tpu.memory_space<vmem_shared>>
          tpu.wait_indirect_dma semaphore(%run_scoped3A : memref<!tpu.dma_semaphore, #tpu.memory_space<semaphore_mem>>) src(%arg17 : memref<128x16xf32, #tpu.memory_space<vmem>>) dst(%dma_wait3A_95 : memref<10112x16xf32, #tpu.memory_space<vmem_shared>>)
          tpu.yield
        }) : () -> ()
      } else {
      }
      %scan3A_82 = arith.constant 0 : i32
      scf.yield %scan3A_82 : i32
    }
    %scan3A_21 = arith.constant 79 : i32
    %dma_wait3A = arith.constant 0 : i32
    %dma_wait3A_22 = arith.constant 0 : i32
    %dma_wait3A_23 = tpu.memref_slice %arg10[%dma_wait3A, %dma_wait3A_22] : memref<159x128xi32, #tpu.memory_space<vmem>> -> memref<1x128xi32, #tpu.memory_space<vmem>>
    %dma_wait3A_24 = tpu.memref_squeeze %dma_wait3A_23 : memref<1x128xi32, #tpu.memory_space<vmem>> -> memref<128xi32, #tpu.memory_space<vmem>>
    %dma_wait3A_25 = arith.constant 0 : i32
    %dma_wait3A_26 = arith.constant 0 : i32
    %dma_wait3A_27 = tpu.memref_slice %arg4[%dma_wait3A_25, %dma_wait3A_26] : memref<10000x64xf32, #tpu.memory_space<hbm>> -> memref<10000x64xf32, #tpu.memory_space<hbm>>
    tpu.wait_indirect_dma semaphore(%arg15 : memref<!tpu.dma_semaphore, #tpu.memory_space<semaphore_mem>>) src(%dma_wait3A_27 : memref<10000x64xf32, #tpu.memory_space<hbm>>) dst(%arg12 : memref<128x64xf32, #tpu.memory_space<vmem>>)
    %barrier3A_28 = arith.constant 0 : index
    tpu.barrier barrier_id(%barrier3A_28)
    "tpu.region"() ({
      %run_scoped3A = tpu.sem_alloc : memref<!tpu.dma_semaphore, #tpu.memory_space<semaphore_mem>>
      %dma_start3A = arith.constant 0 : i32
      %dma_start3A_29 = tpu.memref_slice %arg8[%arg0, %mul3A_0, %dma_start3A] : memref<2x10112x64xf32, #tpu.memory_space<hbm>> -> memref<1x632x64xf32, #tpu.memory_space<hbm>>
      %dma_start3A_30 = tpu.memref_squeeze %dma_start3A_29 : memref<1x632x64xf32, #tpu.memory_space<hbm>> -> memref<632x64xf32, #tpu.memory_space<hbm>>
      %dma_start3A_31 = arith.constant 0 : i32
      %dma_start3A_32 = tpu.memref_slice %arg14[%mul3A_0, %dma_start3A_31] : memref<10112x64xf32, #tpu.memory_space<vmem_shared>> -> memref<632x64xf32, #tpu.memory_space<vmem_shared>>
      tpu.enqueue_dma source(%dma_start3A_32 : memref<632x64xf32, #tpu.memory_space<vmem_shared>>) target(%dma_start3A_30 : memref<632x64xf32, #tpu.memory_space<hbm>>) target_semaphore(%run_scoped3A : memref<!tpu.dma_semaphore, #tpu.memory_space<semaphore_mem>>)
      %dma_wait3A_33 = arith.constant 0 : i32
      %dma_wait3A_34 = tpu.memref_slice %arg8[%arg0, %mul3A_0, %dma_wait3A_33] : memref<2x10112x64xf32, #tpu.memory_space<hbm>> -> memref<1x632x64xf32, #tpu.memory_space<hbm>>
      %dma_wait3A_35 = tpu.memref_squeeze %dma_wait3A_34 : memref<1x632x64xf32, #tpu.memory_space<hbm>> -> memref<632x64xf32, #tpu.memory_space<hbm>>
      %dma_wait3A_36 = arith.constant 0 : i32
      %dma_wait3A_37 = tpu.memref_slice %arg14[%mul3A_0, %dma_wait3A_36] : memref<10112x64xf32, #tpu.memory_space<vmem_shared>> -> memref<632x64xf32, #tpu.memory_space<vmem_shared>>
      tpu.wait_dma2 semaphore(%run_scoped3A : memref<!tpu.dma_semaphore, #tpu.memory_space<semaphore_mem>>) src(%dma_wait3A_37 : memref<632x64xf32, #tpu.memory_space<vmem_shared>>) dst(%dma_wait3A_35 : memref<632x64xf32, #tpu.memory_space<hbm>>)
      tpu.yield
    }) : () -> ()
    "tpu.region"() ({
      %run_scoped3A = tpu.sem_alloc : memref<!tpu.dma_semaphore, #tpu.memory_space<semaphore_mem>>
      %dma_start3A = arith.constant 0 : i32
      %dma_start3A_29 = tpu.memref_slice %arg9[%arg0, %mul3A_0, %dma_start3A] : memref<2x10112x16xf32, #tpu.memory_space<hbm>> -> memref<1x632x16xf32, #tpu.memory_space<hbm>>
      %dma_start3A_30 = tpu.memref_squeeze %dma_start3A_29 : memref<1x632x16xf32, #tpu.memory_space<hbm>> -> memref<632x16xf32, #tpu.memory_space<hbm>>
      %dma_start3A_31 = arith.constant 0 : i32
      %dma_start3A_32 = tpu.memref_slice %arg18[%mul3A_0, %dma_start3A_31] : memref<10112x16xf32, #tpu.memory_space<vmem_shared>> -> memref<632x16xf32, #tpu.memory_space<vmem_shared>>
      tpu.enqueue_dma source(%dma_start3A_32 : memref<632x16xf32, #tpu.memory_space<vmem_shared>>) target(%dma_start3A_30 : memref<632x16xf32, #tpu.memory_space<hbm>>) target_semaphore(%run_scoped3A : memref<!tpu.dma_semaphore, #tpu.memory_space<semaphore_mem>>)
      %dma_wait3A_33 = arith.constant 0 : i32
      %dma_wait3A_34 = tpu.memref_slice %arg9[%arg0, %mul3A_0, %dma_wait3A_33] : memref<2x10112x16xf32, #tpu.memory_space<hbm>> -> memref<1x632x16xf32, #tpu.memory_space<hbm>>
      %dma_wait3A_35 = tpu.memref_squeeze %dma_wait3A_34 : memref<1x632x16xf32, #tpu.memory_space<hbm>> -> memref<632x16xf32, #tpu.memory_space<hbm>>
      %dma_wait3A_36 = arith.constant 0 : i32
      %dma_wait3A_37 = tpu.memref_slice %arg18[%mul3A_0, %dma_wait3A_36] : memref<10112x16xf32, #tpu.memory_space<vmem_shared>> -> memref<632x16xf32, #tpu.memory_space<vmem_shared>>
      tpu.wait_dma2 semaphore(%run_scoped3A : memref<!tpu.dma_semaphore, #tpu.memory_space<semaphore_mem>>) src(%dma_wait3A_37 : memref<632x16xf32, #tpu.memory_space<vmem_shared>>) dst(%dma_wait3A_35 : memref<632x16xf32, #tpu.memory_space<hbm>>)
      tpu.yield
    }) : () -> ()
    return
  }
}

module attributes {stable_mosaic.version = 14 : i64} {
  func.func @_tc_layer1(%arg0: i32, %arg1: memref<1000x128xf32, #tpu.memory_space<vmem>>, %arg2: memref<2x1000x64xf32, #tpu.memory_space<vmem>>, %arg3: memref<2x1000x16xf32, #tpu.memory_space<vmem>>, %arg4: memref<128x128xf32, #tpu.memory_space<vmem>>, %arg5: memref<128x128xf32, #tpu.memory_space<vmem>>, %arg6: memref<1x128xf32, #tpu.memory_space<vmem>>, %arg7: memref<1000x64xf32, #tpu.memory_space<vmem>>, %arg8: memref<1000x64xf32, #tpu.memory_space<vmem>>, %arg9: memref<1000x8xf32, #tpu.memory_space<vmem>>) attributes {dimension_semantics = [#tpu.dimension_semantics<arbitrary>], iteration_bounds = array<i64: 10>, scalar_prefetch = 0 : i64, scratch_operands = 0 : i64, tpu.core_type = #tpu.core_type<tc>, window_params = [{transform_indices = @transform_0, window_bounds = array<i64: 1000, 128>}, {transform_indices = @transform_1, window_bounds = array<i64: 2, 1000, 64>}, {transform_indices = @transform_2, window_bounds = array<i64: 2, 1000, 16>}, {pipeline_mode = #tpu.pipeline_mode<synchronous>, transform_indices = @transform_3, window_bounds = array<i64: 128, 128>}, {pipeline_mode = #tpu.pipeline_mode<synchronous>, transform_indices = @transform_4, window_bounds = array<i64: 128, 128>}, {pipeline_mode = #tpu.pipeline_mode<synchronous>, transform_indices = @transform_5, window_bounds = array<i64: 1, 128>}, {transform_indices = @transform_6, window_bounds = array<i64: 1000, 64>}, {transform_indices = @transform_7, window_bounds = array<i64: 1000, 64>}, {transform_indices = @transform_8, window_bounds = array<i64: 1000, 8>}]} {
    %get3A = arith.constant 0 : index
    %get3A_0 = arith.constant 0 : index
    %get3A_1 = arith.constant 0 : index
    %get3A_2 = vector.load %arg2[%get3A, %get3A_0, %get3A_1] : memref<2x1000x64xf32, #tpu.memory_space<vmem>>, vector<2x1000x64xf32>
    %slice3A = vector.extract_strided_slice %get3A_2 {offsets = [0, 0, 0], sizes = [1, 1000, 64], strides = [1, 1, 1]} : vector<2x1000x64xf32> to vector<1x1000x64xf32>
    %squeeze3A = vector.shape_cast %slice3A : vector<1x1000x64xf32> to vector<1000x64xf32>
    %slice3A_3 = vector.extract_strided_slice %get3A_2 {offsets = [1, 0, 0], sizes = [1, 1000, 64], strides = [1, 1, 1]} : vector<2x1000x64xf32> to vector<1x1000x64xf32>
    %squeeze3A_4 = vector.shape_cast %slice3A_3 : vector<1x1000x64xf32> to vector<1000x64xf32>
    %concatenate3A = tpu.concatenate %squeeze3A, %squeeze3A_4 in 1 : vector<1000x64xf32>, vector<1000x64xf32> -> vector<1000x128xf32>
    %get3A_5 = arith.constant 0 : index
    %get3A_6 = arith.constant 0 : index
    %get3A_7 = arith.constant 0 : index
    %get3A_8 = vector.load %arg3[%get3A_5, %get3A_6, %get3A_7] : memref<2x1000x16xf32, #tpu.memory_space<vmem>>, vector<2x1000x16xf32>
    %slice3A_9 = vector.extract_strided_slice %get3A_8 {offsets = [0, 0, 0], sizes = [1, 1000, 16], strides = [1, 1, 1]} : vector<2x1000x16xf32> to vector<1x1000x16xf32>
    %squeeze3A_10 = vector.shape_cast %slice3A_9 : vector<1x1000x16xf32> to vector<1000x16xf32>
    %slice3A_11 = vector.extract_strided_slice %squeeze3A_10 {offsets = [0, 0], sizes = [1000, 1], strides = [1, 1]} : vector<1000x16xf32> to vector<1000x1xf32>
    %slice3A_12 = vector.extract_strided_slice %get3A_8 {offsets = [1, 0, 0], sizes = [1, 1000, 16], strides = [1, 1, 1]} : vector<2x1000x16xf32> to vector<1x1000x16xf32>
    %squeeze3A_13 = vector.shape_cast %slice3A_12 : vector<1x1000x16xf32> to vector<1000x16xf32>
    %slice3A_14 = vector.extract_strided_slice %squeeze3A_13 {offsets = [0, 0], sizes = [1000, 1], strides = [1, 1]} : vector<1000x16xf32> to vector<1000x1xf32>
    %add3A = arith.addf %slice3A_11, %slice3A_14 : vector<1000x1xf32>
    %max3A = arith.constant 1.000000e+00 : f32
    %max3A_15 = vector.broadcast %max3A : f32 to vector<1000x1xf32>
    %max3A_16 = arith.maximumf %add3A, %max3A_15 : vector<1000x1xf32>
    %div3A = arith.constant 1.000000e+00 : f32
    %div3A_17 = vector.broadcast %div3A : f32 to vector<1000x1xf32>
    %div3A_18 = arith.divf %div3A_17, %max3A_16 : vector<1000x1xf32>
    %get3A_19 = arith.constant 0 : index
    %get3A_20 = arith.constant 0 : index
    %get3A_21 = vector.load %arg1[%get3A_19, %get3A_20] : memref<1000x128xf32, #tpu.memory_space<vmem>>, vector<1000x128xf32>
    %get3A_22 = arith.constant 0 : index
    %get3A_23 = arith.constant 0 : index
    %get3A_24 = vector.load %arg4[%get3A_22, %get3A_23] : memref<128x128xf32, #tpu.memory_space<vmem>>, vector<128x128xf32>
    %dot_general3A = arith.constant dense<0.000000e+00> : vector<1000x128xf32>
    %dot_general3A_25 = tpu.matmul %get3A_21, %get3A_24, %dot_general3A {dimension_numbers = #tpu.dot_dimension_numbers<[1], [0], [0], [1], [0, 0, 1, 1], [], []>, transpose_lhs_hint = false} : vector<1000x128xf32>, vector<128x128xf32>, vector<1000x128xf32> -> vector<1000x128xf32>
    %mul3A = vector.broadcast %div3A_18 : vector<1000x1xf32> to vector<1000x128xf32>
    %mul3A_26 = arith.mulf %concatenate3A, %mul3A : vector<1000x128xf32>
    %get3A_27 = arith.constant 0 : index
    %get3A_28 = arith.constant 0 : index
    %get3A_29 = vector.load %arg5[%get3A_27, %get3A_28] : memref<128x128xf32, #tpu.memory_space<vmem>>, vector<128x128xf32>
    %dot_general3A_30 = arith.constant dense<0.000000e+00> : vector<1000x128xf32>
    %dot_general3A_31 = tpu.matmul %mul3A_26, %get3A_29, %dot_general3A_30 {dimension_numbers = #tpu.dot_dimension_numbers<[1], [0], [0], [1], [0, 0, 1, 1], [], []>, transpose_lhs_hint = false} : vector<1000x128xf32>, vector<128x128xf32>, vector<1000x128xf32> -> vector<1000x128xf32>
    %add3A_32 = arith.addf %dot_general3A_25, %dot_general3A_31 : vector<1000x128xf32>
    %get3A_33 = arith.constant 0 : index
    %get3A_34 = arith.constant 0 : index
    %get3A_35 = vector.load %arg6[%get3A_33, %get3A_34] : memref<1x128xf32, #tpu.memory_space<vmem>>, vector<1x128xf32>
    %add3A_36 = vector.broadcast %get3A_35 : vector<1x128xf32> to vector<1000x128xf32>
    %add3A_37 = arith.addf %add3A_32, %add3A_36 : vector<1000x128xf32>
    %max3A_38 = arith.constant 0.000000e+00 : f32
    %max3A_39 = vector.broadcast %max3A_38 : f32 to vector<1000x128xf32>
    %max3A_40 = arith.maximumf %add3A_37, %max3A_39 : vector<1000x128xf32>
    %slice3A_41 = vector.extract_strided_slice %max3A_40 {offsets = [0, 0], sizes = [1000, 64], strides = [1, 1]} : vector<1000x128xf32> to vector<1000x64xf32>
    %swap3A = arith.constant 0 : index
    %swap3A_42 = arith.constant 0 : index
    %swap3A_43 = vector.load %arg7[%swap3A, %swap3A_42] : memref<1000x64xf32, #tpu.memory_space<vmem>>, vector<1000x64xf32>
    tpu.vector_store %arg7[%swap3A, %swap3A_42], %slice3A_41 {strides = array<i32>} : memref<1000x64xf32, #tpu.memory_space<vmem>>, vector<1000x64xf32>,
    %slice3A_44 = vector.extract_strided_slice %max3A_40 {offsets = [0, 64], sizes = [1000, 64], strides = [1, 1]} : vector<1000x128xf32> to vector<1000x64xf32>
    %swap3A_45 = arith.constant 0 : index
    %swap3A_46 = arith.constant 0 : index
    %swap3A_47 = vector.load %arg8[%swap3A_45, %swap3A_46] : memref<1000x64xf32, #tpu.memory_space<vmem>>, vector<1000x64xf32>
    tpu.vector_store %arg8[%swap3A_45, %swap3A_46], %slice3A_44 {strides = array<i32>} : memref<1000x64xf32, #tpu.memory_space<vmem>>, vector<1000x64xf32>,
    %broadcast_in_dim3A = vector.shape_cast %div3A_18 : vector<1000x1xf32> to vector<1000x1xf32>
    %broadcast_in_dim3A_48 = vector.broadcast %broadcast_in_dim3A : vector<1000x1xf32> to vector<1000x8xf32>
    %swap3A_49 = arith.constant 0 : index
    %swap3A_50 = arith.constant 0 : index
    %swap3A_51 = vector.load %arg9[%swap3A_49, %swap3A_50] : memref<1000x8xf32, #tpu.memory_space<vmem>>, vector<1000x8xf32>
    tpu.vector_store %arg9[%swap3A_49, %swap3A_50], %broadcast_in_dim3A_48 {strides = array<i32>} : memref<1000x8xf32, #tpu.memory_space<vmem>>, vector<1000x8xf32>,
    return
  }
  func.func @transform_0(%arg0: i32) -> (i32, i32) {
    %c0_i32 = arith.constant 0 : i32
    %c0_i32_0 = arith.constant 0 : i32
    return %arg0, %c0_i32 : i32, i32
  }
  func.func @transform_1(%arg0: i32) -> (i32, i32, i32) {
    %c0_i32 = arith.constant 0 : i32
    %c0_i32_0 = arith.constant 0 : i32
    %c0_i32_1 = arith.constant 0 : i32
    return %c0_i32, %arg0, %c0_i32_0 : i32, i32, i32
  }
  func.func @transform_2(%arg0: i32) -> (i32, i32, i32) {
    %c0_i32 = arith.constant 0 : i32
    %c0_i32_0 = arith.constant 0 : i32
    %c0_i32_1 = arith.constant 0 : i32
    return %c0_i32, %arg0, %c0_i32_0 : i32, i32, i32
  }
  func.func @transform_3(%arg0: i32) -> (i32, i32) {
    %c0_i32 = arith.constant 0 : i32
    %c0_i32_0 = arith.constant 0 : i32
    %c0_i32_1 = arith.constant 0 : i32
    return %c0_i32, %c0_i32_0 : i32, i32
  }
  func.func @transform_4(%arg0: i32) -> (i32, i32) {
    %c0_i32 = arith.constant 0 : i32
    %c0_i32_0 = arith.constant 0 : i32
    %c0_i32_1 = arith.constant 0 : i32
    return %c0_i32, %c0_i32_0 : i32, i32
  }
  func.func @transform_5(%arg0: i32) -> (i32, i32) {
    %c0_i32 = arith.constant 0 : i32
    %c0_i32_0 = arith.constant 0 : i32
    %c0_i32_1 = arith.constant 0 : i32
    return %c0_i32, %c0_i32_0 : i32, i32
  }
  func.func @transform_6(%arg0: i32) -> (i32, i32) {
    %c0_i32 = arith.constant 0 : i32
    %c0_i32_0 = arith.constant 0 : i32
    return %arg0, %c0_i32 : i32, i32
  }
  func.func @transform_7(%arg0: i32) -> (i32, i32) {
    %c0_i32 = arith.constant 0 : i32
    %c0_i32_0 = arith.constant 0 : i32
    return %arg0, %c0_i32 : i32, i32
  }
  func.func @transform_8(%arg0: i32) -> (i32, i32) {
    %c0_i32 = arith.constant 0 : i32
    %c0_i32_0 = arith.constant 0 : i32
    return %arg0, %c0_i32 : i32, i32
  }
}

module attributes {stable_mosaic.version = 14 : i64} {
  func.func @_tc_layer2(%arg0: i32, %arg1: memref<1000x64xf32, #tpu.memory_space<vmem>>, %arg2: memref<1000x64xf32, #tpu.memory_space<vmem>>, %arg3: memref<2x1000x64xf32, #tpu.memory_space<vmem>>, %arg4: memref<1000x8xf32, #tpu.memory_space<vmem>>, %arg5: memref<128x128xf32, #tpu.memory_space<vmem>>, %arg6: memref<128x128xf32, #tpu.memory_space<vmem>>, %arg7: memref<1x128xf32, #tpu.memory_space<vmem>>, %arg8: memref<1000x128xf32, #tpu.memory_space<vmem>>) attributes {dimension_semantics = [#tpu.dimension_semantics<arbitrary>], iteration_bounds = array<i64: 10>, scalar_prefetch = 0 : i64, scratch_operands = 0 : i64, tpu.core_type = #tpu.core_type<tc>, window_params = [{transform_indices = @transform_0, window_bounds = array<i64: 1000, 64>}, {transform_indices = @transform_1, window_bounds = array<i64: 1000, 64>}, {transform_indices = @transform_2, window_bounds = array<i64: 2, 1000, 64>}, {transform_indices = @transform_3, window_bounds = array<i64: 1000, 8>}, {pipeline_mode = #tpu.pipeline_mode<synchronous>, transform_indices = @transform_4, window_bounds = array<i64: 128, 128>}, {pipeline_mode = #tpu.pipeline_mode<synchronous>, transform_indices = @transform_5, window_bounds = array<i64: 128, 128>}, {pipeline_mode = #tpu.pipeline_mode<synchronous>, transform_indices = @transform_6, window_bounds = array<i64: 1, 128>}, {transform_indices = @transform_7, window_bounds = array<i64: 1000, 128>}]} {
    %get3A = arith.constant 0 : index
    %get3A_0 = arith.constant 0 : index
    %get3A_1 = arith.constant 0 : index
    %get3A_2 = vector.load %arg3[%get3A, %get3A_0, %get3A_1] : memref<2x1000x64xf32, #tpu.memory_space<vmem>>, vector<2x1000x64xf32>
    %slice3A = vector.extract_strided_slice %get3A_2 {offsets = [0, 0, 0], sizes = [1, 1000, 64], strides = [1, 1, 1]} : vector<2x1000x64xf32> to vector<1x1000x64xf32>
    %squeeze3A = vector.shape_cast %slice3A : vector<1x1000x64xf32> to vector<1000x64xf32>
    %slice3A_3 = vector.extract_strided_slice %get3A_2 {offsets = [1, 0, 0], sizes = [1, 1000, 64], strides = [1, 1, 1]} : vector<2x1000x64xf32> to vector<1x1000x64xf32>
    %squeeze3A_4 = vector.shape_cast %slice3A_3 : vector<1x1000x64xf32> to vector<1000x64xf32>
    %concatenate3A = tpu.concatenate %squeeze3A, %squeeze3A_4 in 1 : vector<1000x64xf32>, vector<1000x64xf32> -> vector<1000x128xf32>
    %get3A_5 = arith.constant 0 : index
    %get3A_6 = arith.constant 0 : index
    %get3A_7 = vector.load %arg4[%get3A_5, %get3A_6] : memref<1000x8xf32, #tpu.memory_space<vmem>>, vector<1000x1xf32>
    %mul3A = vector.broadcast %get3A_7 : vector<1000x1xf32> to vector<1000x128xf32>
    %mul3A_8 = arith.mulf %concatenate3A, %mul3A : vector<1000x128xf32>
    %get3A_9 = arith.constant 0 : index
    %get3A_10 = arith.constant 0 : index
    %get3A_11 = vector.load %arg5[%get3A_9, %get3A_10] : memref<128x128xf32, #tpu.memory_space<vmem>>, vector<128x128xf32>
    %get3A_12 = arith.constant 0 : index
    %get3A_13 = arith.constant 0 : index
    %get3A_14 = vector.load %arg1[%get3A_12, %get3A_13] : memref<1000x64xf32, #tpu.memory_space<vmem>>, vector<1000x64xf32>
    %slice3A_15 = vector.extract_strided_slice %get3A_11 {offsets = [0, 0], sizes = [64, 128], strides = [1, 1]} : vector<128x128xf32> to vector<64x128xf32>
    %dot_general3A = arith.constant dense<0.000000e+00> : vector<1000x128xf32>
    %dot_general3A_16 = tpu.matmul %get3A_14, %slice3A_15, %dot_general3A {dimension_numbers = #tpu.dot_dimension_numbers<[1], [0], [0], [1], [0, 0, 1, 1], [], []>, transpose_lhs_hint = false} : vector<1000x64xf32>, vector<64x128xf32>, vector<1000x128xf32> -> vector<1000x128xf32>
    %get3A_17 = arith.constant 0 : index
    %get3A_18 = arith.constant 0 : index
    %get3A_19 = vector.load %arg2[%get3A_17, %get3A_18] : memref<1000x64xf32, #tpu.memory_space<vmem>>, vector<1000x64xf32>
    %slice3A_20 = vector.extract_strided_slice %get3A_11 {offsets = [64, 0], sizes = [64, 128], strides = [1, 1]} : vector<128x128xf32> to vector<64x128xf32>
    %dot_general3A_21 = arith.constant dense<0.000000e+00> : vector<1000x128xf32>
    %dot_general3A_22 = tpu.matmul %get3A_19, %slice3A_20, %dot_general3A_21 {dimension_numbers = #tpu.dot_dimension_numbers<[1], [0], [0], [1], [0, 0, 1, 1], [], []>, transpose_lhs_hint = false} : vector<1000x64xf32>, vector<64x128xf32>, vector<1000x128xf32> -> vector<1000x128xf32>
    %add3A = arith.addf %dot_general3A_16, %dot_general3A_22 : vector<1000x128xf32>
    %get3A_23 = arith.constant 0 : index
    %get3A_24 = arith.constant 0 : index
    %get3A_25 = vector.load %arg6[%get3A_23, %get3A_24] : memref<128x128xf32, #tpu.memory_space<vmem>>, vector<128x128xf32>
    %dot_general3A_26 = arith.constant dense<0.000000e+00> : vector<1000x128xf32>
    %dot_general3A_27 = tpu.matmul %mul3A_8, %get3A_25, %dot_general3A_26 {dimension_numbers = #tpu.dot_dimension_numbers<[1], [0], [0], [1], [0, 0, 1, 1], [], []>, transpose_lhs_hint = false} : vector<1000x128xf32>, vector<128x128xf32>, vector<1000x128xf32> -> vector<1000x128xf32>
    %add3A_28 = arith.addf %add3A, %dot_general3A_27 : vector<1000x128xf32>
    %get3A_29 = arith.constant 0 : index
    %get3A_30 = arith.constant 0 : index
    %get3A_31 = vector.load %arg7[%get3A_29, %get3A_30] : memref<1x128xf32, #tpu.memory_space<vmem>>, vector<1x128xf32>
    %add3A_32 = vector.broadcast %get3A_31 : vector<1x128xf32> to vector<1000x128xf32>
    %add3A_33 = arith.addf %add3A_28, %add3A_32 : vector<1000x128xf32>
    %swap3A = arith.constant 0 : index
    %swap3A_34 = arith.constant 0 : index
    %swap3A_35 = vector.load %arg8[%swap3A, %swap3A_34] : memref<1000x128xf32, #tpu.memory_space<vmem>>, vector<1000x128xf32>
    tpu.vector_store %arg8[%swap3A, %swap3A_34], %add3A_33 {strides = array<i32>} : memref<1000x128xf32, #tpu.memory_space<vmem>>, vector<1000x128xf32>,
    return
  }
  func.func @transform_0(%arg0: i32) -> (i32, i32) {
    %c0_i32 = arith.constant 0 : i32
    %c0_i32_0 = arith.constant 0 : i32
    return %arg0, %c0_i32 : i32, i32
  }
  func.func @transform_1(%arg0: i32) -> (i32, i32) {
    %c0_i32 = arith.constant 0 : i32
    %c0_i32_0 = arith.constant 0 : i32
    return %arg0, %c0_i32 : i32, i32
  }
  func.func @transform_2(%arg0: i32) -> (i32, i32, i32) {
    %c0_i32 = arith.constant 0 : i32
    %c0_i32_0 = arith.constant 0 : i32
    %c0_i32_1 = arith.constant 0 : i32
    return %c0_i32, %arg0, %c0_i32_0 : i32, i32, i32
  }
  func.func @transform_3(%arg0: i32) -> (i32, i32) {
    %c0_i32 = arith.constant 0 : i32
    %c0_i32_0 = arith.constant 0 : i32
    return %arg0, %c0_i32 : i32, i32
  }
  func.func @transform_4(%arg0: i32) -> (i32, i32) {
    %c0_i32 = arith.constant 0 : i32
    %c0_i32_0 = arith.constant 0 : i32
    %c0_i32_1 = arith.constant 0 : i32
    return %c0_i32, %c0_i32_0 : i32, i32
  }
  func.func @transform_5(%arg0: i32) -> (i32, i32) {
    %c0_i32 = arith.constant 0 : i32
    %c0_i32_0 = arith.constant 0 : i32
    %c0_i32_1 = arith.constant 0 : i32
    return %c0_i32, %c0_i32_0 : i32, i32
  }
  func.func @transform_6(%arg0: i32) -> (i32, i32) {
    %c0_i32 = arith.constant 0 : i32
    %c0_i32_0 = arith.constant 0 : i32
    %c0_i32_1 = arith.constant 0 : i32
    return %c0_i32, %c0_i32_0 : i32, i32
  }
  func.func @transform_7(%arg0: i32) -> (i32, i32) {
    %c0_i32 = arith.constant 0 : i32
    %c0_i32_0 = arith.constant 0 : i32
    return %arg0, %c0_i32 : i32, i32
  }
}

</mosaic_0001>

<sc_bundles>
// kernel: kernel.6.cloned.1.call-start
scs
__scs_entry_jumppad:
0x0: {  	(pc) =	sbr.rel $0x88, $3  }
0x1: {  	(tag) =	ssettag $0x0;
	lr =	simm.s32 $0x1  }
0x2: {  	[smem:$0x3F99] =	sst lr;
	_ =	strace $0xD0000000  }
0x3: {  	_ = 	snop  }
0x4: {  	_ = 	snop  }
0x5: {  	_ = 	snop  }
0x6: {  	_ = 	snop  }
0x7: {  	_ = 	snop  }
__scs_overlays_trampoline_lowered:
0x8: {  	[smem:$0x3FA8] =	sst s0  }
0x9: {  	[smem:$0x3FA9] =	sst s1  }
0xa: {  	[smem:$0x3FAA] =	sst s2  }
0xb: {  	[smem:$0x3FAB] =	sst s3  }
0xc: {  	[smem:$0x3FAC] =	sst s4  }
0xd: {  	[smem:$0x3FAD] =	sst s5  }
0xe: {  	[smem:$0x3FAE] =	sst s6  }
0xf: {  	[smem:$0x3FAF] =	sst s7  }
0x10: {  	[smem:$0x3FB0] =	sst s8  }
0x11: {  	[smem:$0x3FB1] =	sst s9;
	s0 =	simm.s32 @!p0 $0x0  }
0x12: {  	s1 =	sld [smem:$0x3F97];
	s0 =	simm.s32 @p0 $0x1  }
0x13: {  	[smem:$0x3FB2] =	sst s0;
	s0 =	simm.s32 @!p1 $0x0  }
0x14: {  	s2 =	sld [smem:$0x3F96];
	s0 =	simm.s32 @p1 $0x1  }
0x15: {  	[smem:$0x3FB3] =	sst s0;
	s0 =	simm.s32 @!p2 $0x0  }
0x16: {  	s3 =	sld [smem:$0x3FDB];
	s0 =	simm.s32 @p2 $0x1  }
0x17: {  	s4 =	simm.s32 $0x1BF5;
	[smem:$0x3FB5] =	sst s0  }
0x18: {  	s0 =	sld [smem:$0x3F98];
	_ =	swait.ge [sflag:s4], $0x0  }
0x19: {  	s7 =	sld [smem:$0x3F99]  }
0x1a: {  	s8 =	sadd.s32 $0xFFFFE003, lr  }
0x1b: {  	s9 =	sadd.s32 $0xFFFFFEF7, lr;
	s5 =	simm.s32 $0xFFFFFFFF;
	p2 =	slt.u32 s8, $0xFFFFF086  }
0x1c: {  	p1 =	slt.u32 s9, $0xF7A;
	s5 =	simm.s32 @!p2 $0x0  }
0x1d: {  	s5 =	simm.s32 @p1 $0x1;
	p0 =	seq.s32 s7, s2  }
0x1e: {  	s7 =	smul.u32 @!p0 $0xF7A, s2;
	p2 =	seq.s32 @!p0 s5, $0x0  }
0x1f: {  	s9 =	smul.u32 $0xF7A, s1;
	s8 =	simm.s32 @!p0 $0x1BF5;
	p2 =	por !p2, p0  }
0x20: {  	[sflag:s8] =	ssyncset.s32 @!p0 $0xFFFFF086;
	s6 =	sadd.s32 @!p0 s3, s7;
	s7 =	simm.s32 @!p0 $0x108  }
0x21: {  	s3 =	sadd.s32 s3, s9;
	s6 =	sadd.s32 @!p0 $0x88, s6;
	s7 =	simm.s32 @p2 $0x1082  }
0x22: {  	[simem:s7], [sflag:s8] =	dma.local @!p0 [hbm:s6], $0xF7A  }
0x23: {  	s9 =	sor.u32 $0xD0000000, s2;
	s6 =	simm.s32 $0x108;
	_ =	swait.ge @!p0 [sflag:s8], $0x0  }
0x24: {  	s3 =	sadd.s32 $0x88, s3;
	s6 =	simm.s32 @!p1 $0x1082;
	[sflag:s4] =	ssyncset.s32 $0xFFFFF086  }
0x25: {  	[simem:s6], [sflag:s4] =	dma.local [hbm:s3], $0xF7A  }
0x26: {  	[smem:$0x3F99] =	sst s1;
	(tag) =	ssettag s2;
	_ =	strace s9  }
0x27: {  	s1 =	sld [smem:$0x3FA9]  }
0x28: {  	s2 =	sld [smem:$0x3FAA]  }
0x29: {  	s4 =	sld [smem:$0x3FAC]  }
0x2a: {  	p0 =	seq.s32 s5, $0x0;
	s5 =	sld [smem:$0x3FAD]  }
0x2b: {  	s6 =	sld [smem:$0x3FAE]  }
0x2c: {  	s7 =	sld [smem:$0x3FAF]  }
0x2d: {  	s3 =	simm.s32 $0x108;
	s8 =	sld [smem:$0x3FB0]  }
0x2e: {  	s3 =	simm.s32 @!p0 $0x1082;
	s9 =	sld [smem:$0x3FB1]  }
0x2f: {  	lr =	sadd.s32 s0, s3;
	s0 =	sld [smem:$0x3FA8]  }
0x30: {  	s3 =	sld [smem:$0x3FAB]  }
0x31: {  	[smem:$0x3FB4] =	sst s10  }
0x32: {  	s10 =	sld [smem:$0x3FB2];
	_ =	sdelay $0x3  }
0x33: {  	p0 =	seq.s32 s10, $0x1;
	s10 =	sld [smem:$0x3FB4];
	_ =	sdelay $0x3  }
0x34: {  	[smem:$0x3FB4] =	sst s10  }
0x35: {  	s10 =	sld [smem:$0x3FB3];
	_ =	sdelay $0x3  }
0x36: {  	p1 =	seq.s32 s10, $0x1;
	s10 =	sld [smem:$0x3FB4];
	_ =	sdelay $0x3  }
0x37: {  	[smem:$0x3FB4] =	sst s10  }
0x38: {  	s10 =	sld [smem:$0x3FB5]  }
0x39: {  	_ = 	snop;
	(pc) =	sbr.ind lr, $3  }
0x3a: {  	_ = 	snop  }
0x3b: {  	_ = 	snop  }
0x3c: {  	p2 =	seq.s32 s10, $0x1;
	s10 =	sld [smem:$0x3FB4]  }
0x3d: {  	_ =	shalt  }
0x3e: {  	_ =	shalt  }
0x3f: {  	_ =	shalt  }
0x40: {  	_ =	shalt  }
0x41: {  	_ =	shalt  }
0x42: {  	_ =	shalt  }
0x43: {  	_ =	shalt  }
0x44: {  	_ =	shalt  }
0x45: {  	_ =	shalt  }
0x46: {  	_ =	shalt  }
0x47: {  	_ =	shalt  }
0x48: {  	_ =	shalt  }
0x49: {  	_ =	shalt  }
0x4a: {  	_ =	shalt  }
0x4b: {  	_ =	shalt  }
0x4c: {  	_ =	shalt  }
0x4d: {  	_ =	shalt  }
0x4e: {  	_ =	shalt  }
0x4f: {  	_ =	shalt  }
0x50: {  	_ =	shalt  }
0x51: {  	_ =	shalt  }
0x52: {  	_ =	shalt  }
0x53: {  	_ =	shalt  }
0x54: {  	_ =	shalt  }
0x55: {  	_ =	shalt  }
0x56: {  	_ =	shalt  }
0x57: {  	_ =	shalt  }
0x58: {  	_ =	shalt  }
0x59: {  	_ =	shalt  }
0x5a: {  	_ =	shalt  }
0x5b: {  	_ =	shalt  }
0x5c: {  	_ =	shalt  }
0x5d: {  	_ =	shalt  }
0x5e: {  	_ =	shalt  }
0x5f: {  	_ =	shalt  }
0x60: {  	_ =	shalt  }
0x61: {  	_ =	shalt  }
0x62: {  	_ =	shalt  }
0x63: {  	_ =	shalt  }
0x64: {  	_ =	shalt  }
0x65: {  	_ =	shalt  }
0x66: {  	_ =	shalt  }
0x67: {  	_ =	shalt  }
0x68: {  	_ =	shalt  }
0x69: {  	_ =	shalt  }
0x6a: {  	_ =	shalt  }
0x6b: {  	_ =	shalt  }
0x6c: {  	_ =	shalt  }
0x6d: {  	_ =	shalt  }
0x6e: {  	_ =	shalt  }
0x6f: {  	_ =	shalt  }
0x70: {  	_ =	shalt  }
0x71: {  	_ =	shalt  }
0x72: {  	_ =	shalt  }
0x73: {  	_ =	shalt  }
0x74: {  	_ =	shalt  }
0x75: {  	_ =	shalt  }
0x76: {  	_ =	shalt  }
0x77: {  	_ =	shalt  }
0x78: {  	_ =	shalt  }
0x79: {  	_ =	shalt  }
0x7a: {  	_ =	shalt  }
0x7b: {  	_ =	shalt  }
0x7c: {  	_ =	shalt  }
0x7d: {  	_ =	shalt  }
0x7e: {  	_ =	shalt  }
0x7f: {  	_ =	shalt  }
0x80: {  	_ =	shalt  }
0x81: {  	_ =	shalt  }
0x82: {  	_ =	shalt  }
0x83: {  	_ =	shalt  }
0x84: {  	_ =	shalt  }
0x85: {  	_ =	shalt  }
0x86: {  	_ =	shalt  }
0x87: {  	_ =	shalt  }
.Lfunc_end0:
.L_simem_size_0:
called_computation_lowered:
.L_overlay_start_0:
0x88: {  	s2 =	sld [smem:$0x3FD9]  }
0x89: {  	s3 =	sld [smem:$0x3FFE];
	_ =	sdelay $0x1  }
0x8a: {  	s1 =	srdreg.scid  }
0x8b: {  	s0 =	sand.u32 $0x1, s1  }
0x8c: {  	s17 =	sshll.u32 s0, $0xA;
	s2 =	sadd.s32 s3, s2  }
0x8d: {  	s2 =	sadd.s32 s2, s17  }
0x8e: {  	[smem:$0x3FC0] =	sst s2  }
0x8f: {  	_ = 	snop  }
0x90: {  	s2 =	sld [smem:$0x3FD0];
	(tm) =	ssettm $0x1  }
0x91: {  	s18 =	sld [smem:$0x3FFB];
	_ =	sdelay $0x3  }
0x92: {  	_ =	strace s18  }
0x93: {  	s3 =	sld [smem:$0x3FFC];
	_ =	sdelay $0x3  }
0x94: {  	_ =	strace s3  }
0x95: {  	s3 =	sld [smem:$0x3FFD];
	_ =	sdelay $0x3  }
0x96: {  	_ =	strace s3  }
0x97: {  	_ =	strace $0x8FFFFFFF  }
0x98: {  	s19 =	sld [smem:$0x3FDB];
	_ =	sdelay $0x1  }
0x99: {  	s4 =	simm.s32 $_scs_section_size  }
0x9a: {  	s5 =	simm.s32 $_size__tile_overlayer_lowered;
	s6 =	simm.s32 $_tile_overlayer_lowered  }
0x9b: {  	s22 =	simm.s32 $0x1BFF;
	s21 =	sshll.u32 s6, $0x1;
	s3 =	sadd.s32 s4, s19  }
0x9c: {  	s7 =	simm.s32 $0x0;
	s20 =	sshll.u32 s5, $0x1;
	s5 =	sadd.s32 s21, s3  }
0x9d: {  	[timem:s7], [sflag:s22] =	dma.local [hbm:s5], s20  }
0x9e: {  	_ =	swait.ge [sflag:s22], s20  }
0x9f: {  	s4 =	ssub.s32 $0x0, s20;
	[sflag:s22] =	ssyncset.done $0x0  }
0xa0: {  	[sflag:s22] =	ssyncadd.s32 s4;
	_ =	sdelay $0x1  }
0xa1: {  	s23 =	simm.s32 $0x1B8B  }
0xa2: {  	_ =	swait.ge [sflag:s23], $0x1  }
0xa3: {  	[sflag:s23] =	ssyncset.done $0x0  }
0xa4: {  	s25 =	simm.s32 $0x1B8E;
	s24 =	sld [smem:$0x3FFE];
	[sflag:s23] =	ssyncadd.s32 $0xFFFFFFFF  }
0xa5: {  	s26 =	simm.s32 $execute0_lowered;
	[smem:$0x3FD2] =	sst s25  }
0xa6: {  	s5 =	sshll.u32 s26, $0x1;
	_ =	strace $0x80000046;
	[dreg:$0x1] =	wrdreg $0xFFFFFFFF  }
0xa7: {  	s28 =	simm.s32 $_size_execute0_lowered;
	s3 =	sadd.s32 s3, s5;
	[dreg:$0x0] =	wrdreg $0x0  }
0xa8: {  	s5 =	sshll.u32 s28, $0x1;
	[dreg:$0x2] =	wrdreg s3  }
0xa9: {  	[dreg:$0x3] =	wrdreg s5  }
0xaa: {  	[dreg:$0x4] =	wrdreg $0xC0  }
0xab: {  	_ =	task [dreg:s7], $0x5FFFF  }
0xac: {  	[dreg:$0x1] =	wrdreg $0xFFFFFFFF  }
0xad: {  	[dreg:$0x0] =	wrdreg $0x60  }
0xae: {  	[dreg:$0x2] =	wrdreg s2  }
0xaf: {  	[dreg:$0x3] =	wrdreg s24  }
0xb0: {  	[dreg:$0x4] =	wrdreg $0xDF000  }
0xb1: {  	[dreg:$0x5] =	wrdreg $0x185000  }
0xb2: {  	[dreg:$0x6] =	wrdreg $0x9  }
0xb3: {  	_ =	task.clear_ibuf [dreg:s7], $0x7FFFF;
	_ =	strace $0x90000046  }
0xb4: {  	s29 =	simm.s32 $0x9;
	_ =	strace $0x80000048  }
0xb5: {  	_ =	swait.ge [sflag:s29], $0x1  }
0xb6: {  	[sflag:s29] =	ssyncadd.s32 $0xFFFFFFFF  }
0xb7: {  	_ =	strace $0x90000048  }
0xb8: {  	_ =	sfence  }
0xb9: {  	s30 =	sld [smem:$0x0];
	_ =	sdelay $0x2  }
0xba: {  	s31 =	sshll.u32 s1, $0xD;
	s1 =	sshrl.u32 s1, $0x2  }
0xbb: {  	s3 =	sand.u32 $0x4000, s31;
	s1 =	sadd.s32 s1, s30  }
0xbc: {  	s0 =	sor.u32 s3, s0;
	s1 =	sshll.u32 s1, $0x11  }
0xbd: {  	s0 =	sor.u32 s1, s0  }
0xbe: {  	s0 =	sadd.s32 $0x8F2B, s0  }
0xbf: {  	[sflag:s0] =	ssyncadd.remote.s32 $0x1  }
0xc0: {  	_ =	sfence.sel $0xFFFF  }
0xc1: {  	[dreg:$0x0] =	wrdreg $0xFFFFFFFF;
	(pc) =	sbr.abs _section_cstart, $3  }
0xc2: {  	[dreg:$0x1] =	wrdreg $0xFFFFFFFF  }
0xc3: {  	_ =	task.clear_ibuf [dreg:s7], $0x2FFFF;
	_ =	strace $0x9FFFFFFF  }
0xc4: {  	(tm) =	ssettm $0x7FFFFFFF  }
0xc5: {  	_ =	shalt  }
tec
execute0_lowered:
.L_overlay_start_1:
0x0: {  	(tag) =	ssettag $0x1  }
0x1: {  	s0 =	rddreg [dreg:$0x0]  }
0x2: {  	s1 =	rddreg [dreg:$0x1]  }
0x3: {  	s2 =	rddreg [dreg:$0x2]  }
0x4: {  	s3 =	rddreg [dreg:$0x3];
	s16 =	stileid.u32  }
0x5: {  	s6 =	simm.s32 $0x0;
	s5 =	srdreg.scid;
	s4 =	smul.u32 $0x2780, s16  }
0x6: {  	s15 =	simm.s32 $0x3;
	s21 =	simm.s32 $0x80;
	s7 =	smul.u32 $0x9E0, s16  }
0x7: {  	[smem:$0x7FF] =	sst s6;
	s8 =	sand.u32 $0x1, s5;
	s9 =	smul.u32 $0x9E00, s16  }
0x8: {  	s5 =	sadd.s32 $0x15200, s1;
	s6 =	sadd.s32 $0x1800, s1;
	s10 =	smul.u32 $0x9E000, s8  }
0x9: {  	s31 =	sshll.u32 s16, $0x6;
	_ =	strace $0x80000047;
	s12 =	smul.u32 $0x27800, s8  }
0xa: {  	s13 =	ssub.s32 $0x2, s8;
	p0 =	seq.s32 s8, $0x0;
	s18 =	sor.u32 $0x1C03, s31  }
0xb: {  	s22 =	sshrl.u32 s4, $0x3;
	s7 =	sadd.s32 s7, s1;
	s14 =	sshrl.u32 s13, $0x1  }
0xc: {  	s25 =	sadd.s32 s9, s2;
	s26 =	sadd.s32 s4, s3;
	s11 =	sadd.s32 s22, s1  }
0xd: {  	s10 =	sadd.s32 s9, s10;
	s12 =	sadd.s32 s4, s12;
	s23 =	ssub.s32 s13, s14  }
0xe: {  	s24 =	sadd.s32 $0x32A00, s7;
	s7 =	sadd.s32 $0x28C00, s7;
	s9 =	sshrl.u32 s9, $0x3  }
0xf: {  	s13 =	smov.u32 s6;
	s8 =	sshrl.u32 s25, $0x3;
	[dreg:$0x5] =	wrdreg s24  }
0x10: {  	s22 =	simm.s32 $0x9F00;
	s25 =	simm.s32 $0x4;
	[dreg:$0x6] =	wrdreg s7  }
0x11: {  	s10 =	sshrl.u32 s10, $0x3;
	s0 =	sadd.s32 s0, s9;
	[dreg:$0xc] =	wrdreg s8  }
0x12: {  	s12 =	sshrl.u32 s12, $0x3;
	s28 =	sadd.s32 $0x3C800, s11;
	[dreg:$0x7] =	wrdreg s0  }
0x13: {  	s30 =	smax.u32 s23, $0x1;
	s13 =	smov.u32 @p0 s5;
	[dreg:$0x8] =	wrdreg s28  }
0x14: {  	s9 =	sshrl.u32 s26, $0x3;
	s10 =	sadd.s32 s10, s1;
	[dreg:$0xb] =	wrdreg s30  }
0x15: {  	s1 =	sadd.s32 s12, s1;
	[dreg:$0xd] =	wrdreg s9;
	s29 =	sadd.s32 $0x41800, s10  }
0x16: {  	s23 =	simm.s32 $0xBF00;
	s1 =	sadd.s32 $0x69000, s1;
	[dreg:$0x9] =	wrdreg s29  }
0x17: {  	v0 =	vimm.f32 $1.000000000e+00;
	s24 =	simm.s32 $0x1;
	s26 =	simm.s32 $0x0;
	[dreg:$0xa] =	wrdreg s1  }
.LBB2_1:
0x18: {  	s0 =	simm.s32 $0x0;
	s1 =	rddreg [dreg:$0x5]  }
0x19: {  	[tilespmem:s0], [sflag:$0x3] =	stream.linear.gather [hbm4b:s1+s0], $0x4F00, $0x38;
	[tilespmem:$0x1AC80] =	vst v63  }
0x1a: {  	_ =	swait.ge [sflag:s15], $0x4F00  }
0x1b: {  	[sflag:s15] =	ssyncset.done $0x0  }
0x1c: {  	s7 =	simm.s32 $0x4F80;
	s4 =	rddreg [dreg:$0x6];
	[sflag:s15] =	ssyncadd.s32 $0xFFFFB100  }
0x1d: {  	[tilespmem:s7], [sflag:$0x3] =	stream.linear.gather [hbm4b:s4+s0], $0x4F00, $0x38;
	[tilespmem:$0x1AC80] =	vst v63  }
0x1e: {  	_ =	swait.ge [sflag:s15], $0x4F00  }
0x1f: {  	[sflag:s15] =	ssyncset.done $0x0  }
0x20: {  	s29 =	simm.s32 $0x4F00;
	[sflag:s15] =	ssyncadd.s32 $0xFFFFB100  }
0x21: {  	[tilespmem:s29], [sflag:$0x3] =	stream.linear.gather [hbm4b:s1+s0], $0x80, $0x38;
	[tilespmem:$0x1AC80] =	vst v63  }
0x22: {  	_ =	swait.ge [sflag:s15], $0x80  }
0x23: {  	[sflag:s15] =	ssyncset.done $0x0  }
0x24: {  	s30 =	rddreg [dreg:$0x7];
	[sflag:s15] =	ssyncadd.s32 $0xFFFFFF80  }
0x25: {  	[spmem:s8], [sflag:s18] =	dma.local [hbm:s30], $0x13C0  }
0x26: {  	_ =	swait.ge [sflag:s15], $0x13C0  }
0x27: {  	[sflag:s15] =	ssyncset.done $0x0  }
0x28: {  	s31 =	rddreg [dreg:$0x8];
	[sflag:s15] =	ssyncadd.s32 $0xFFFFEC40  }
0x29: {  	[spmem:s9], [sflag:s18] =	dma.local [hbm:s31], $0x4F0  }
0x2a: {  	_ =	swait.ge [sflag:s15], $0x4F0  }
0x2b: {  	[sflag:s15] =	ssyncset.done $0x0  }
0x2c: {  	s0 =	simm.s32 $0x40;
	s1 =	simm.s32 $0x0;
	[sflag:s15] =	ssyncadd.s32 $0xFFFFFB10  }
.LBB2_2:
0x2d: {  	p1 =	sne.s32 s0, $0x1FC0;
	[tilespmem:s1+$0x17D00] =	vst v0;
	s1 =	smov.u32 s0;
	s0 =	sadd.s32 $0x40, s0  }
.Ltmp0:
0x2e: {  	(pc) =	sbr.rel @p1 .LBB2_2-.Ltmp0, $2  }
0x2f: {  	_ =	sdelay $0x2  }
0x30: {  	s1 =	sshra.s32 s1, $0x2  }
0x31: {  	[tilespmem:s1+$0x17D00] =	vst v0  }
0x32: {  	s0 =	simm.s32 $0x0;
	[bflag:$0x0] =	sbarrier.arrive $0xFFFF  }
0x33: {  	[tilespmem:s22], [sflag:$0x1] =	stream.indirect.gather [hbm4b:s13+s21], $0x40, s0, s21, $0xb8;
	[tilespmem:$0x1AC80] =	vst v63  }
0x34: {  	s20 =	simm.s32 $0x80  }
0x35: {  	[tilespmem:s23], [sflag:$0x2] =	stream.indirect.gather [hbm4b:s13+s21], $0x40, s20, s21, $0xb8;
	[tilespmem:$0x1AC80] =	vst v63  }
0x36: {  	_ =	swait.ge [sflag:s24], $0x2000  }
0x37: {  	[sflag:s24] =	ssyncset.done $0x0  }
0x38: {  	s0 =	simm.s32 $0x4F80;
	[sflag:s24] =	ssyncadd.s32 $0xFFFFE000  }
0x39: {  	[spmem:s2] =	stream.indirect.scatter.add.f32 [tilespmem:s22], [sflag:$0x4], $0x40, s0, s21, $0xb8;
	[tilespmem:$0x1AC80] =	vst v63  }
0x3a: {  	_ =	swait.ge [sflag:s25], $0x2000  }
0x3b: {  	s28 =	simm.s32 @p0 $0x4;
	[sflag:s25] =	ssyncset.done $0x0  }
0x3c: {  	s29 =	simm.s32 @p0 $0x80;
	s30 =	simm.s32 @p0 $0x17D00;
	[sflag:s25] =	ssyncadd.s32 $0xFFFFE000  }
0x3d: {  	[spmem:s3] =	stream.indirect.scatter.add.f32 @p0 [tilespmem:s30], [sflag:$0x4], $0x10, s0, s29, $0xb8;
	[tilespmem:$0x1AC80] =	vst v63  }
0x3e: {  	_ =	swait.ge @p0 [sflag:s28], $0x800  }
0x3f: {  	s31 =	simm.s32 @p0 $0x2;
	[sflag:s28] =	ssyncset.done @p0 $0x0  }
0x40: {  	s1 =	simm.s32 @p0 $0x100;
	s0 =	simm.s32 @p0 $0x9F00;
	[sflag:s28] =	ssyncadd.s32 @p0 $0xFFFFF800  }
0x41: {  	[tilespmem:s0], [sflag:$0x1] =	stream.indirect.gather @p0 [hbm4b:s5+s29], $0x40, s1, s29, $0xb8;
	[tilespmem:$0x1AC80] =	vst v63  }
0x42: {  	_ =	swait.ge @p0 [sflag:s31], $0x2000  }
0x43: {  	[sflag:s31] =	ssyncset.done @p0 $0x0  }
0x44: {  	s16 =	simm.s32 @p0 $0xBF00;
	s1 =	simm.s32 @p0 $0x5000;
	[sflag:s31] =	ssyncadd.s32 @p0 $0xFFFFE000  }
0x45: {  	[spmem:s2] =	stream.indirect.scatter.add.f32 @p0 [tilespmem:s16], [sflag:$0x4], $0x40, s1, s29, $0xb8;
	[tilespmem:$0x1AC80] =	vst v63  }
0x46: {  	_ =	swait.ge @p0 [sflag:s28], $0x2000  }
0x47: {  	s17 =	simm.s32 @!p0 $0x2;
	s8 =	simm.s32 @!p0 $0x9F00;
	[sflag:s28] =	ssyncset.done @p0 $0x0  }
0x48: {  	s9 =	simm.s32 @!p0 $0x80;
	s1 =	simm.s32 @!p0 $0x100;
	[sflag:s28] =	ssyncadd.s32 @p0 $0xFFFFE000  }
0x49: {  	[tilespmem:s8], [sflag:$0x1] =	stream.indirect.gather @!p0 [hbm4b:s6+s9], $0x40, s1, s9, $0xb8;
	[tilespmem:$0x1AC80] =	vst v63  }
0x4a: {  	_ =	swait.ge @!p0 [sflag:s17], $0x2000  }
0x4b: {  	s10 =	simm.s32 @!p0 $0x4;
	[sflag:s17] =	ssyncset.done @!p0 $0x0  }
0x4c: {  	s11 =	simm.s32 @!p0 $0xBF00;
	s1 =	simm.s32 @!p0 $0x5000;
	[sflag:s17] =	ssyncadd.s32 @!p0 $0xFFFFE000  }
0x4d: {  	[spmem:s2] =	stream.indirect.scatter.add.f32 @!p0 [tilespmem:s11], [sflag:$0x4], $0x40, s1, s9, $0xb8;
	[tilespmem:$0x1AC80] =	vst v63  }
0x4e: {  	_ =	swait.ge @!p0 [sflag:s10], $0x2000  }
0x4f: {  	[sflag:s10] =	ssyncset.done @!p0 $0x0  }
0x50: {  	s14 =	simm.s32 @!p0 $0x17D00;
	s12 =	simm.s32 @!p0 $0x3;
	[sflag:s10] =	ssyncadd.s32 @!p0 $0xFFFFE000  }
0x51: {  	[spmem:s3] =	stream.indirect.scatter.add.f32 @!p0 [tilespmem:s14], [sflag:$0x3], $0x10, s1, s9, $0xb8;
	[tilespmem:$0x1AC80] =	vst v63  }
0x52: {  	s4 =	simm.s32 $0x800;
	_ =	swait.ge @!p0 [sflag:s12], $0x800  }
0x53: {  	s7 =	simm.s32 $0x100;
	s1 =	simm.s32 $0x400;
	[sflag:s12] =	ssyncset.done @!p0 $0x0  }
.LBB2_4:
0x54: {  	s19 =	sadd.s32 $0x80, s7  }
0x55: {  	[sflag:s12] =	ssyncadd.s32 @!p0 $0xFFFFF800;
	s20 =	smov.u32 s4;
	s4 =	sadd.s32 $0x400, s4  }
0x56: {  	[tilespmem:s23], [sflag:$0x2] =	stream.indirect.gather [hbm4b:s13+s21], $0x40, s19, s21, $0xb8;
	[tilespmem:$0x1AC80] =	vst v63  }
0x57: {  	p1 =	sne.s32 s4, $0x13C00;
	_ =	swait.ge [sflag:s24], $0x2000  }
0x58: {  	[sflag:s24] =	ssyncset.done $0x0  }
0x59: {  	s7 =	sadd.s32 $0x4F80, s7;
	[sflag:s24] =	ssyncadd.s32 $0xFFFFE000  }
0x5a: {  	[spmem:s2] =	stream.indirect.scatter.add.f32 [tilespmem:s22], [sflag:$0x4], $0x40, s7, s21, $0xb8;
	[tilespmem:$0x1AC80] =	vst v63  }
0x5b: {  	_ =	swait.ge [sflag:s25], $0x2000  }
0x5c: {  	[sflag:s25] =	ssyncset.done $0x0  }
0x5d: {  	[sflag:s25] =	ssyncadd.s32 $0xFFFFE000  }
0x5e: {  	[spmem:s3] =	stream.indirect.scatter.add.f32 @p0 [tilespmem:s30], [sflag:$0x4], $0x10, s7, s29, $0xb8;
	[tilespmem:$0x1AC80] =	vst v63  }
0x5f: {  	_ =	swait.ge @p0 [sflag:s28], $0x800  }
0x60: {  	s7 =	sshra.s32 @p0 s1, $0x2;
	[sflag:s28] =	ssyncset.done @p0 $0x0  }
0x61: {  	s19 =	sadd.s32 @p0 $0x100, s7;
	[sflag:s28] =	ssyncadd.s32 @p0 $0xFFFFF800  }
0x62: {  	[tilespmem:s0], [sflag:$0x1] =	stream.indirect.gather @p0 [hbm4b:s5+s29], $0x40, s19, s29, $0xb8;
	[tilespmem:$0x1AC80] =	vst v63  }
0x63: {  	_ =	swait.ge @p0 [sflag:s31], $0x2000  }
0x64: {  	[sflag:s31] =	ssyncset.done @p0 $0x0  }
0x65: {  	s7 =	sadd.s32 @p0 $0x5000, s7;
	[sflag:s31] =	ssyncadd.s32 @p0 $0xFFFFE000  }
0x66: {  	[spmem:s2] =	stream.indirect.scatter.add.f32 @p0 [tilespmem:s16], [sflag:$0x4], $0x40, s7, s29, $0xb8;
	[tilespmem:$0x1AC80] =	vst v63  }
0x67: {  	_ =	swait.ge @p0 [sflag:s28], $0x2000  }
0x68: {  	s7 =	sshra.s32 @!p0 s1, $0x2;
	[sflag:s28] =	ssyncset.done @p0 $0x0  }
0x69: {  	s1 =	sadd.s32 @!p0 $0x100, s7;
	[sflag:s28] =	ssyncadd.s32 @p0 $0xFFFFE000  }
0x6a: {  	[tilespmem:s8], [sflag:$0x1] =	stream.indirect.gather @!p0 [hbm4b:s6+s9], $0x40, s1, s9, $0xb8;
	[tilespmem:$0x1AC80] =	vst v63  }
0x6b: {  	s1 =	smov.u32 s20;
	_ =	swait.ge @!p0 [sflag:s17], $0x2000  }
0x6c: {  	[sflag:s17] =	ssyncset.done @!p0 $0x0  }
0x6d: {  	s7 =	sadd.s32 @!p0 $0x5000, s7;
	[sflag:s17] =	ssyncadd.s32 @!p0 $0xFFFFE000  }
0x6e: {  	[spmem:s2] =	stream.indirect.scatter.add.f32 @!p0 [tilespmem:s11], [sflag:$0x4], $0x40, s7, s9, $0xb8;
	[tilespmem:$0x1AC80] =	vst v63  }
0x6f: {  	_ =	swait.ge @!p0 [sflag:s10], $0x2000  }
.Ltmp1:
0x70: {  	[sflag:s10] =	ssyncset.done @!p0 $0x0;
	(pc) =	sbr.rel @p1 .LBB2_4-.Ltmp1, $4  }
0x71: {  	[sflag:s10] =	ssyncadd.s32 @!p0 $0xFFFFE000  }
0x72: {  	[spmem:s3] =	stream.indirect.scatter.add.f32 @!p0 [tilespmem:s14], [sflag:$0x3], $0x10, s7, s9, $0xb8;
	[tilespmem:$0x1AC80] =	vst v63  }
0x73: {  	_ =	swait.ge @!p0 [sflag:s12], $0x800  }
0x74: {  	s7 =	sshra.s32 s1, $0x2;
	[sflag:s12] =	ssyncset.done @!p0 $0x0  }
0x75: {  	s0 =	sadd.s32 $0x80, s7;
	[sflag:s12] =	ssyncadd.s32 @!p0 $0xFFFFF800  }
0x76: {  	[tilespmem:s23], [sflag:$0x2] =	stream.indirect.gather [hbm4b:s13+s21], $0x40, s0, s21, $0xb8;
	[tilespmem:$0x1AC80] =	vst v63  }
0x77: {  	_ =	swait.ge [sflag:s24], $0x2000  }
0x78: {  	[sflag:s24] =	ssyncset.done $0x0  }
0x79: {  	s0 =	sadd.s32 $0x4F80, s7;
	[sflag:s24] =	ssyncadd.s32 $0xFFFFE000  }
0x7a: {  	[spmem:s2] =	stream.indirect.scatter.add.f32 [tilespmem:s22], [sflag:$0x4], $0x40, s0, s21, $0xb8;
	[tilespmem:$0x1AC80] =	vst v63  }
0x7b: {  	_ =	swait.ge [sflag:s25], $0x2000  }
0x7c: {  	s4 =	simm.s32 @p0 $0x4;
	[sflag:s25] =	ssyncset.done $0x0  }
0x7d: {  	s8 =	simm.s32 @p0 $0x17D00;
	s7 =	simm.s32 @p0 $0x80;
	[sflag:s25] =	ssyncadd.s32 $0xFFFFE000  }
0x7e: {  	[spmem:s3] =	stream.indirect.scatter.add.f32 @p0 [tilespmem:s8], [sflag:$0x4], $0x10, s0, s7, $0xb8;
	[tilespmem:$0x1AC80] =	vst v63  }
0x7f: {  	_ =	swait.ge @p0 [sflag:s4], $0x800  }
0x80: {  	s10 =	simm.s32 @p0 $0x9F00;
	s0 =	sshra.s32 @p0 s1, $0x2;
	[sflag:s4] =	ssyncset.done @p0 $0x0  }
0x81: {  	s8 =	simm.s32 @p0 $0x2;
	s9 =	sadd.s32 @p0 $0x100, s0;
	[sflag:s4] =	ssyncadd.s32 @p0 $0xFFFFF800  }
0x82: {  	[tilespmem:s10], [sflag:$0x1] =	stream.indirect.gather @p0 [hbm4b:s5+s7], $0x40, s9, s7, $0xb8;
	[tilespmem:$0x1AC80] =	vst v63  }
0x83: {  	_ =	swait.ge @p0 [sflag:s8], $0x2000  }
0x84: {  	[sflag:s8] =	ssyncset.done @p0 $0x0  }
0x85: {  	s0 =	sadd.s32 @p0 $0x5000, s0;
	[sflag:s8] =	ssyncadd.s32 @p0 $0xFFFFE000;
	s8 =	simm.s32 @p0 $0xBF00  }
0x86: {  	[spmem:s2] =	stream.indirect.scatter.add.f32 @p0 [tilespmem:s8], [sflag:$0x4], $0x40, s0, s7, $0xb8;
	[tilespmem:$0x1AC80] =	vst v63  }
0x87: {  	s1 =	sshra.s32 @!p0 s1, $0x2;
	_ =	swait.ge @p0 [sflag:s4], $0x2000  }
0x88: {  	s0 =	simm.s32 @!p0 $0x2;
	s7 =	simm.s32 @!p0 $0x9F00;
	[sflag:s4] =	ssyncset.done @p0 $0x0  }
0x89: {  	s8 =	simm.s32 @!p0 $0x80;
	[sflag:s4] =	ssyncadd.s32 @p0 $0xFFFFE000;
	s4 =	sadd.s32 @!p0 $0x100, s1  }
0x8a: {  	[tilespmem:s7], [sflag:$0x1] =	stream.indirect.gather @!p0 [hbm4b:s6+s8], $0x40, s4, s8, $0xb8;
	[tilespmem:$0x1AC80] =	vst v63  }
0x8b: {  	_ =	swait.ge @!p0 [sflag:s0], $0x2000  }
0x8c: {  	s4 =	simm.s32 @!p0 $0x4;
	[sflag:s0] =	ssyncset.done @!p0 $0x0  }
0x8d: {  	[sflag:s0] =	ssyncadd.s32 @!p0 $0xFFFFE000;
	s0 =	sadd.s32 @!p0 $0x5000, s1;
	s1 =	simm.s32 @!p0 $0xBF00  }
0x8e: {  	[spmem:s2] =	stream.indirect.scatter.add.f32 @!p0 [tilespmem:s1], [sflag:$0x4], $0x40, s0, s8, $0xb8;
	[tilespmem:$0x1AC80] =	vst v63  }
0x8f: {  	_ =	swait.ge @!p0 [sflag:s4], $0x2000  }
0x90: {  	[sflag:s4] =	ssyncset.done @!p0 $0x0  }
0x91: {  	s1 =	simm.s32 @!p0 $0x17D00;
	[sflag:s4] =	ssyncadd.s32 @!p0 $0xFFFFE000;
	s4 =	simm.s32 @!p0 $0x3  }
0x92: {  	[spmem:s3] =	stream.indirect.scatter.add.f32 @!p0 [tilespmem:s1], [sflag:$0x3], $0x10, s0, s8, $0xb8;
	[tilespmem:$0x1AC80] =	vst v63  }
0x93: {  	_ =	swait.ge @!p0 [sflag:s4], $0x800  }
0x94: {  	[sflag:s4] =	ssyncset.done @!p0 $0x0  }
0x95: {  	[sflag:s4] =	ssyncadd.s32 @!p0 $0xFFFFF800  }
0x96: {  	_ =	swait.ge [sflag:s24], $0x2000  }
0x97: {  	[sflag:s24] =	ssyncset.done $0x0  }
0x98: {  	[sflag:s24] =	ssyncadd.s32 $0xFFFFE000  }
0x99: {  	[bflag:$0x0] =	sbarrier.arrive $0xFFFF  }
0x9a: {  	s29 =	rddreg [dreg:$0x9]  }
0x9b: {  	s8 =	rddreg [dreg:$0xc]  }
0x9c: {  	[hbm:s29], [sflag:s18] =	dma.local [spmem:s8], $0x13C0  }
0x9d: {  	_ =	swait.ge [sflag:s15], $0x13C0  }
0x9e: {  	[sflag:s15] =	ssyncset.done $0x0;
	s30 =	rddreg [dreg:$0xa]  }
0x9f: {  	s9 =	rddreg [dreg:$0xd];
	[sflag:s15] =	ssyncadd.s32 $0xFFFFEC40  }
0xa0: {  	[hbm:s30], [sflag:s18] =	dma.local [spmem:s9], $0x4F0  }
0xa1: {  	_ =	swait.ge [sflag:s15], $0x4F0  }
0xa2: {  	s26 =	sadd.s32 $0x1, s26;
	s31 =	rddreg [dreg:$0xb]  }
0xa3: {  	p1 =	sne.s32 s26, s31  }
.Ltmp2:
0xa4: {  	_ = 	snop;
	(pc) =	sbr.rel @p1 .LBB2_1-.Ltmp2, $3  }
0xa5: {  	_ =	sdelay $0x1  }
0xa6: {  	[sflag:s15] =	ssyncset.done $0x0  }
0xa7: {  	[sflag:s15] =	ssyncadd.s32 $0xFFFFFB10  }
0xa8: {  	_ =	sfence.sel $0x180000  }
0xa9: {  	[bflag:$0x0] =	sbarrier.arrive $0xFFFF  }
0xaa: {  	_ =	strace $0x90000047  }
0xab: {  	s0 =	stileid.u32;
	[bflag:$0x2] =	sbarrier.arrive $0xFFFF  }
0xac: {  	p0 =	sne.s32 s0, $0x0;
	s0 =	rddreg [dreg:$0x4]  }
0xad: {  	s0 =	sadd.s32 @!p0 $0x100000, s0  }
0xae: {  	[sflag:s0] =	ssyncadd.tile.s32 @!p0 $0x1;
	_ =	shalt  }
.Lfunc_end2:
_tile_overlayer_lowered:
.L_overlay_start_2:
0xaf: {  	(tag) =	ssettag $0x2  }
0xb0: {  	s0 =	rddreg [dreg:$0x0];
	s2 =	stileid.u32  }
0xb1: {  	s1 =	rddreg [dreg:$0x1];
	p0 =	sne.s32 s2, $0x0  }
0xb2: {  	s3 =	rddreg [dreg:$0x2];
	[bflag:$0x3] =	sbarrier.arrive $0xFFFF;
	s2 =	simm.s32 @!p0 $0x1C03  }
0xb3: {  	[timem:s3], [sflag:s2] =	dma.local @!p0 [hbm:s0], s1  }
0xb4: {  	s0 =	simm.s32 @!p0 $0x3  }
0xb5: {  	_ =	swait.ge @!p0 [sflag:s0], s1  }
0xb6: {  	s1 =	ssub.s32 @!p0 $0x0, s1;
	[sflag:s0] =	ssyncset.done @!p0 $0x0  }
0xb7: {  	[sflag:s0] =	ssyncadd.s32 @!p0 s1  }
0xb8: {  	[bflag:$0x3] =	sbarrier.arrive $0xFFFF  }
0xb9: {  	_ =	shalt  }

// kernel: kernel.9.cloned.1.call-start
scs
__scs_entry_jumppad:
0x0: {  	(pc) =	sbr.rel $0x88, $3  }
0x1: {  	(tag) =	ssettag $0x0;
	lr =	simm.s32 $0x1  }
0x2: {  	[smem:$0x3F99] =	sst lr;
	_ =	strace $0xD0000000  }
0x3: {  	_ = 	snop  }
0x4: {  	_ = 	snop  }
0x5: {  	_ = 	snop  }
0x6: {  	_ = 	snop  }
0x7: {  	_ = 	snop  }
__scs_overlays_trampoline_lowered:
0x8: {  	[smem:$0x3FA8] =	sst s0  }
0x9: {  	[smem:$0x3FA9] =	sst s1  }
0xa: {  	[smem:$0x3FAA] =	sst s2  }
0xb: {  	[smem:$0x3FAB] =	sst s3  }
0xc: {  	[smem:$0x3FAC] =	sst s4  }
0xd: {  	[smem:$0x3FAD] =	sst s5  }
0xe: {  	[smem:$0x3FAE] =	sst s6  }
0xf: {  	[smem:$0x3FAF] =	sst s7  }
0x10: {  	[smem:$0x3FB0] =	sst s8  }
0x11: {  	[smem:$0x3FB1] =	sst s9;
	s0 =	simm.s32 @!p0 $0x0  }
0x12: {  	s1 =	sld [smem:$0x3F97];
	s0 =	simm.s32 @p0 $0x1  }
0x13: {  	[smem:$0x3FB2] =	sst s0;
	s0 =	simm.s32 @!p1 $0x0  }
0x14: {  	s2 =	sld [smem:$0x3F96];
	s0 =	simm.s32 @p1 $0x1  }
0x15: {  	[smem:$0x3FB3] =	sst s0;
	s0 =	simm.s32 @!p2 $0x0  }
0x16: {  	s3 =	sld [smem:$0x3FDB];
	s0 =	simm.s32 @p2 $0x1  }
0x17: {  	s4 =	simm.s32 $0x1BF5;
	[smem:$0x3FB5] =	sst s0  }
0x18: {  	s0 =	sld [smem:$0x3F98];
	_ =	swait.ge [sflag:s4], $0x0  }
0x19: {  	s7 =	sld [smem:$0x3F99]  }
0x1a: {  	s8 =	sadd.s32 $0xFFFFE003, lr  }
0x1b: {  	s9 =	sadd.s32 $0xFFFFFEF7, lr;
	s5 =	simm.s32 $0xFFFFFFFF;
	p2 =	slt.u32 s8, $0xFFFFF086  }
0x1c: {  	p1 =	slt.u32 s9, $0xF7A;
	s5 =	simm.s32 @!p2 $0x0  }
0x1d: {  	s5 =	simm.s32 @p1 $0x1;
	p0 =	seq.s32 s7, s2  }
0x1e: {  	s7 =	smul.u32 @!p0 $0xF7A, s2;
	p2 =	seq.s32 @!p0 s5, $0x0  }
0x1f: {  	s9 =	smul.u32 $0xF7A, s1;
	s8 =	simm.s32 @!p0 $0x1BF5;
	p2 =	por !p2, p0  }
0x20: {  	[sflag:s8] =	ssyncset.s32 @!p0 $0xFFFFF086;
	s6 =	sadd.s32 @!p0 s3, s7;
	s7 =	simm.s32 @!p0 $0x108  }
0x21: {  	s3 =	sadd.s32 s3, s9;
	s6 =	sadd.s32 @!p0 $0x88, s6;
	s7 =	simm.s32 @p2 $0x1082  }
0x22: {  	[simem:s7], [sflag:s8] =	dma.local @!p0 [hbm:s6], $0xF7A  }
0x23: {  	s9 =	sor.u32 $0xD0000000, s2;
	s6 =	simm.s32 $0x108;
	_ =	swait.ge @!p0 [sflag:s8], $0x0  }
0x24: {  	s3 =	sadd.s32 $0x88, s3;
	s6 =	simm.s32 @!p1 $0x1082;
	[sflag:s4] =	ssyncset.s32 $0xFFFFF086  }
0x25: {  	[simem:s6], [sflag:s4] =	dma.local [hbm:s3], $0xF7A  }
0x26: {  	[smem:$0x3F99] =	sst s1;
	(tag) =	ssettag s2;
	_ =	strace s9  }
0x27: {  	s1 =	sld [smem:$0x3FA9]  }
0x28: {  	s2 =	sld [smem:$0x3FAA]  }
0x29: {  	s4 =	sld [smem:$0x3FAC]  }
0x2a: {  	p0 =	seq.s32 s5, $0x0;
	s5 =	sld [smem:$0x3FAD]  }
0x2b: {  	s6 =	sld [smem:$0x3FAE]  }
0x2c: {  	s7 =	sld [smem:$0x3FAF]  }
0x2d: {  	s3 =	simm.s32 $0x108;
	s8 =	sld [smem:$0x3FB0]  }
0x2e: {  	s3 =	simm.s32 @!p0 $0x1082;
	s9 =	sld [smem:$0x3FB1]  }
0x2f: {  	lr =	sadd.s32 s0, s3;
	s0 =	sld [smem:$0x3FA8]  }
0x30: {  	s3 =	sld [smem:$0x3FAB]  }
0x31: {  	[smem:$0x3FB4] =	sst s10  }
0x32: {  	s10 =	sld [smem:$0x3FB2];
	_ =	sdelay $0x3  }
0x33: {  	p0 =	seq.s32 s10, $0x1;
	s10 =	sld [smem:$0x3FB4];
	_ =	sdelay $0x3  }
0x34: {  	[smem:$0x3FB4] =	sst s10  }
0x35: {  	s10 =	sld [smem:$0x3FB3];
	_ =	sdelay $0x3  }
0x36: {  	p1 =	seq.s32 s10, $0x1;
	s10 =	sld [smem:$0x3FB4];
	_ =	sdelay $0x3  }
0x37: {  	[smem:$0x3FB4] =	sst s10  }
0x38: {  	s10 =	sld [smem:$0x3FB5]  }
0x39: {  	_ = 	snop;
	(pc) =	sbr.ind lr, $3  }
0x3a: {  	_ = 	snop  }
0x3b: {  	_ = 	snop  }
0x3c: {  	p2 =	seq.s32 s10, $0x1;
	s10 =	sld [smem:$0x3FB4]  }
0x3d: {  	_ =	shalt  }
0x3e: {  	_ =	shalt  }
0x3f: {  	_ =	shalt  }
0x40: {  	_ =	shalt  }
0x41: {  	_ =	shalt  }
0x42: {  	_ =	shalt  }
0x43: {  	_ =	shalt  }
0x44: {  	_ =	shalt  }
0x45: {  	_ =	shalt  }
0x46: {  	_ =	shalt  }
0x47: {  	_ =	shalt  }
0x48: {  	_ =	shalt  }
0x49: {  	_ =	shalt  }
0x4a: {  	_ =	shalt  }
0x4b: {  	_ =	shalt  }
0x4c: {  	_ =	shalt  }
0x4d: {  	_ =	shalt  }
0x4e: {  	_ =	shalt  }
0x4f: {  	_ =	shalt  }
0x50: {  	_ =	shalt  }
0x51: {  	_ =	shalt  }
0x52: {  	_ =	shalt  }
0x53: {  	_ =	shalt  }
0x54: {  	_ =	shalt  }
0x55: {  	_ =	shalt  }
0x56: {  	_ =	shalt  }
0x57: {  	_ =	shalt  }
0x58: {  	_ =	shalt  }
0x59: {  	_ =	shalt  }
0x5a: {  	_ =	shalt  }
0x5b: {  	_ =	shalt  }
0x5c: {  	_ =	shalt  }
0x5d: {  	_ =	shalt  }
0x5e: {  	_ =	shalt  }
0x5f: {  	_ =	shalt  }
0x60: {  	_ =	shalt  }
0x61: {  	_ =	shalt  }
0x62: {  	_ =	shalt  }
0x63: {  	_ =	shalt  }
0x64: {  	_ =	shalt  }
0x65: {  	_ =	shalt  }
0x66: {  	_ =	shalt  }
0x67: {  	_ =	shalt  }
0x68: {  	_ =	shalt  }
0x69: {  	_ =	shalt  }
0x6a: {  	_ =	shalt  }
0x6b: {  	_ =	shalt  }
0x6c: {  	_ =	shalt  }
0x6d: {  	_ =	shalt  }
0x6e: {  	_ =	shalt  }
0x6f: {  	_ =	shalt  }
0x70: {  	_ =	shalt  }
0x71: {  	_ =	shalt  }
0x72: {  	_ =	shalt  }
0x73: {  	_ =	shalt  }
0x74: {  	_ =	shalt  }
0x75: {  	_ =	shalt  }
0x76: {  	_ =	shalt  }
0x77: {  	_ =	shalt  }
0x78: {  	_ =	shalt  }
0x79: {  	_ =	shalt  }
0x7a: {  	_ =	shalt  }
0x7b: {  	_ =	shalt  }
0x7c: {  	_ =	shalt  }
0x7d: {  	_ =	shalt  }
0x7e: {  	_ =	shalt  }
0x7f: {  	_ =	shalt  }
0x80: {  	_ =	shalt  }
0x81: {  	_ =	shalt  }
0x82: {  	_ =	shalt  }
0x83: {  	_ =	shalt  }
0x84: {  	_ =	shalt  }
0x85: {  	_ =	shalt  }
0x86: {  	_ =	shalt  }
0x87: {  	_ =	shalt  }
.Lfunc_end0:
.L_simem_size_0:
called_computation.1_lowered:
.L_overlay_start_0:
0x88: {  	s2 =	sld [smem:$0x3FD9]  }
0x89: {  	s3 =	sld [smem:$0x3FFE];
	_ =	sdelay $0x1  }
0x8a: {  	s1 =	srdreg.scid  }
0x8b: {  	s0 =	sand.u32 $0x1, s1  }
0x8c: {  	s17 =	sshll.u32 s0, $0xA;
	s2 =	sadd.s32 s3, s2  }
0x8d: {  	s2 =	sadd.s32 s2, s17  }
0x8e: {  	[smem:$0x3FC0] =	sst s2  }
0x8f: {  	_ = 	snop  }
0x90: {  	s2 =	sld [smem:$0x3FD0];
	(tm) =	ssettm $0x1  }
0x91: {  	s18 =	sld [smem:$0x3FFB];
	_ =	sdelay $0x3  }
0x92: {  	_ =	strace s18  }
0x93: {  	s3 =	sld [smem:$0x3FFC];
	_ =	sdelay $0x3  }
0x94: {  	_ =	strace s3  }
0x95: {  	s3 =	sld [smem:$0x3FFD];
	_ =	sdelay $0x3  }
0x96: {  	_ =	strace s3  }
0x97: {  	_ =	strace $0x8FFFFFFF  }
0x98: {  	s19 =	sld [smem:$0x3FDB];
	_ =	sdelay $0x1  }
0x99: {  	s4 =	simm.s32 $_scs_section_size  }
0x9a: {  	s5 =	simm.s32 $_size__tile_overlayer_lowered;
	s6 =	simm.s32 $_tile_overlayer_lowered  }
0x9b: {  	s22 =	simm.s32 $0x1BFF;
	s21 =	sshll.u32 s6, $0x1;
	s3 =	sadd.s32 s4, s19  }
0x9c: {  	s7 =	simm.s32 $0x0;
	s20 =	sshll.u32 s5, $0x1;
	s5 =	sadd.s32 s21, s3  }
0x9d: {  	[timem:s7], [sflag:s22] =	dma.local [hbm:s5], s20  }
0x9e: {  	_ =	swait.ge [sflag:s22], s20  }
0x9f: {  	s4 =	ssub.s32 $0x0, s20;
	[sflag:s22] =	ssyncset.done $0x0  }
0xa0: {  	[sflag:s22] =	ssyncadd.s32 s4;
	_ =	sdelay $0x1  }
0xa1: {  	s23 =	simm.s32 $0x1B8B  }
0xa2: {  	_ =	swait.ge [sflag:s23], $0x1  }
0xa3: {  	[sflag:s23] =	ssyncset.done $0x0  }
0xa4: {  	s25 =	simm.s32 $0x1B8E;
	s24 =	sld [smem:$0x3FFE];
	[sflag:s23] =	ssyncadd.s32 $0xFFFFFFFF  }
0xa5: {  	s26 =	simm.s32 $execute0_lowered;
	[smem:$0x3FD2] =	sst s25  }
0xa6: {  	s5 =	sshll.u32 s26, $0x1;
	_ =	strace $0x80000049;
	[dreg:$0x1] =	wrdreg $0xFFFFFFFF  }
0xa7: {  	s28 =	simm.s32 $_size_execute0_lowered;
	s3 =	sadd.s32 s3, s5;
	[dreg:$0x0] =	wrdreg $0x0  }
0xa8: {  	s5 =	sshll.u32 s28, $0x1;
	[dreg:$0x2] =	wrdreg s3  }
0xa9: {  	[dreg:$0x3] =	wrdreg s5  }
0xaa: {  	[dreg:$0x4] =	wrdreg $0xC0  }
0xab: {  	_ =	task [dreg:s7], $0x5FFFF  }
0xac: {  	[dreg:$0x1] =	wrdreg $0xFFFFFFFF  }
0xad: {  	[dreg:$0x0] =	wrdreg $0x60  }
0xae: {  	[dreg:$0x2] =	wrdreg s2  }
0xaf: {  	[dreg:$0x3] =	wrdreg s24  }
0xb0: {  	[dreg:$0x4] =	wrdreg $0xDF000  }
0xb1: {  	[dreg:$0x5] =	wrdreg $0x9  }
0xb2: {  	_ =	task.clear_ibuf [dreg:s7], $0x6FFFF;
	_ =	strace $0x90000049  }
0xb3: {  	s29 =	simm.s32 $0x9;
	_ =	strace $0x8000004B  }
0xb4: {  	_ =	swait.ge [sflag:s29], $0x1  }
0xb5: {  	[sflag:s29] =	ssyncadd.s32 $0xFFFFFFFF  }
0xb6: {  	_ =	strace $0x9000004B  }
0xb7: {  	_ =	sfence  }
0xb8: {  	s30 =	sld [smem:$0x0];
	_ =	sdelay $0x2  }
0xb9: {  	s31 =	sshll.u32 s1, $0xD;
	s1 =	sshrl.u32 s1, $0x2  }
0xba: {  	s3 =	sand.u32 $0x4000, s31;
	s1 =	sadd.s32 s1, s30  }
0xbb: {  	s0 =	sor.u32 s3, s0;
	s1 =	sshll.u32 s1, $0x11  }
0xbc: {  	s0 =	sor.u32 s1, s0  }
0xbd: {  	s0 =	sadd.s32 $0x8F2B, s0  }
0xbe: {  	[sflag:s0] =	ssyncadd.remote.s32 $0x1  }
0xbf: {  	_ =	sfence.sel $0xFFFF  }
0xc0: {  	[dreg:$0x0] =	wrdreg $0xFFFFFFFF;
	(pc) =	sbr.abs _section_cstart, $3  }
0xc1: {  	[dreg:$0x1] =	wrdreg $0xFFFFFFFF  }
0xc2: {  	_ =	task.clear_ibuf [dreg:s7], $0x2FFFF;
	_ =	strace $0x9FFFFFFF  }
0xc3: {  	(tm) =	ssettm $0x7FFFFFFF  }
tec
execute0_lowered:
.L_overlay_start_1:
0x0: {  	(tag) =	ssettag $0x1  }
0x1: {  	s6 =	rddreg [dreg:$0x0];
	s0 =	stileid.u32  }
0x2: {  	s1 =	srdreg.scid;
	s9 =	rddreg [dreg:$0x1]  }
0x3: {  	s2 =	rddreg [dreg:$0x2];
	s3 =	simm.s32 $0x0;
	s13 =	simm.s32 $0x1800  }
0x4: {  	s15 =	simm.s32 $0x80;
	s16 =	simm.s32 $0x9F00;
	s17 =	simm.s32 $0xBF00  }
0x5: {  	s18 =	simm.s32 $0x1;
	s19 =	simm.s32 $0x2;
	s20 =	simm.s32 $0x0  }
0x6: {  	s7 =	sand.u32 $0x1, s1;
	s8 =	smul.u32 $0x9E00, s0;
	s1 =	rddreg [dreg:$0x3]  }
0x7: {  	[smem:$0x7FF] =	sst s3;
	s5 =	smul.u32 $0x9E0, s0;
	s31 =	sshll.u32 s0, $0x6  }
0x8: {  	s4 =	smul.u32 $0x9E000, s7;
	_ =	strace $0x8000004A;
	s10 =	ssub.s32 $0x2, s7  }
0x9: {  	p0 =	seq.s32 s7, $0x0;
	s5 =	sadd.s32 s5, s9;
	s30 =	sshrl.u32 s10, $0x1  }
0xa: {  	s12 =	sshrl.u32 s8, $0x3;
	s14 =	sadd.s32 s8, s2;
	s13 =	simm.s32 @!p0 $0x15200  }
0xb: {  	s4 =	sadd.s32 s8, s4;
	s10 =	ssub.s32 s10, s30;
	s6 =	sadd.s32 s6, s12  }
0xc: {  	s12 =	simm.s32 $0x4F00;
	s14 =	sshrl.u32 s14, $0x3;
	s4 =	sshrl.u32 s4, $0x3  }
0xd: {  	s8 =	smax.u32 s10, $0x1;
	s10 =	simm.s32 $0x3;
	s11 =	sadd.s32 s4, s9  }
0xe: {  	s4 =	sadd.s32 $0x32A00, s5;
	s5 =	sadd.s32 $0x28C00, s5;
	s9 =	sadd.s32 s13, s9  }
0xf: {  	s13 =	sor.u32 $0x1C03, s31;
	s7 =	sadd.s32 $0x3C800, s11;
	s11 =	simm.s32 $0x4F80  }
.LBB2_1:
0x10: {  	[tilespmem:s3], [sflag:$0x3] =	stream.linear.gather [hbm4b:s4+s3], $0x4F00, $0x38;
	[tilespmem:$0x17D00] =	vst v63  }
0x11: {  	_ =	swait.ge [sflag:s10], $0x4F00  }
0x12: {  	[sflag:s10] =	ssyncset.done $0x0  }
0x13: {  	[sflag:s10] =	ssyncadd.s32 $0xFFFFB100  }
0x14: {  	[tilespmem:s11], [sflag:$0x3] =	stream.linear.gather [hbm4b:s5+s3], $0x4F00, $0x38;
	[tilespmem:$0x17D00] =	vst v63  }
0x15: {  	_ =	swait.ge [sflag:s10], $0x4F00  }
0x16: {  	[sflag:s10] =	ssyncset.done $0x0  }
0x17: {  	[sflag:s10] =	ssyncadd.s32 $0xFFFFB100  }
0x18: {  	[tilespmem:s12], [sflag:$0x3] =	stream.linear.gather [hbm4b:s4+s3], $0x80, $0x38;
	[tilespmem:$0x17D00] =	vst v63  }
0x19: {  	_ =	swait.ge [sflag:s10], $0x80  }
0x1a: {  	[sflag:s10] =	ssyncset.done $0x0  }
0x1b: {  	[sflag:s10] =	ssyncadd.s32 $0xFFFFFF80  }
0x1c: {  	[spmem:s14], [sflag:s13] =	dma.local [hbm:s6], $0x13C0  }
0x1d: {  	_ =	swait.ge [sflag:s10], $0x13C0  }
0x1e: {  	[sflag:s10] =	ssyncset.done $0x0  }
0x1f: {  	[sflag:s10] =	ssyncadd.s32 $0xFFFFEC40  }
0x20: {  	[bflag:$0x0] =	sbarrier.arrive $0xFFFF  }
0x21: {  	[tilespmem:s16], [sflag:$0x1] =	stream.indirect.gather [hbm4b:s9+s15], $0x40, s3, s15, $0xb8;
	[tilespmem:$0x17D00] =	vst v63  }
0x22: {  	s21 =	simm.s32 $0x80  }
0x23: {  	[tilespmem:s17], [sflag:$0x2] =	stream.indirect.gather [hbm4b:s9+s15], $0x40, s21, s15, $0xb8;
	[tilespmem:$0x17D00] =	vst v63  }
0x24: {  	_ =	swait.ge [sflag:s18], $0x2000  }
0x25: {  	[sflag:s18] =	ssyncset.done $0x0  }
0x26: {  	s29 =	simm.s32 $0x4F80;
	[sflag:s18] =	ssyncadd.s32 $0xFFFFE000  }
0x27: {  	[spmem:s2] =	stream.indirect.scatter.add.f32 [tilespmem:s16], [sflag:$0x3], $0x40, s29, s15, $0xb8;
	[tilespmem:$0x17D00] =	vst v63  }
0x28: {  	_ =	swait.ge [sflag:s10], $0x2000  }
0x29: {  	[sflag:s10] =	ssyncset.done $0x0  }
0x2a: {  	s30 =	simm.s32 $0x100;
	[sflag:s10] =	ssyncadd.s32 $0xFFFFE000  }
0x2b: {  	[tilespmem:s16], [sflag:$0x1] =	stream.indirect.gather [hbm4b:s9+s15], $0x40, s30, s15, $0xb8;
	[tilespmem:$0x17D00] =	vst v63  }
0x2c: {  	_ =	swait.ge [sflag:s19], $0x2000  }
0x2d: {  	[sflag:s19] =	ssyncset.done $0x0  }
0x2e: {  	s31 =	simm.s32 $0x5000;
	[sflag:s19] =	ssyncadd.s32 $0xFFFFE000  }
0x2f: {  	[spmem:s2] =	stream.indirect.scatter.add.f32 [tilespmem:s17], [sflag:$0x3], $0x40, s31, s15, $0xb8;
	[tilespmem:$0x17D00] =	vst v63  }
0x30: {  	_ =	swait.ge [sflag:s10], $0x2000  }
0x31: {  	s22 =	simm.s32 $0x800;
	s21 =	simm.s32 $0x100;
	[sflag:s10] =	ssyncset.done $0x0  }
.LBB2_2:
0x32: {  	s23 =	sadd.s32 $0x80, s21  }
0x33: {  	[sflag:s10] =	ssyncadd.s32 $0xFFFFE000;
	s24 =	smov.u32 s22;
	s25 =	sadd.s32 $0x400, s22  }
0x34: {  	[tilespmem:s17], [sflag:$0x2] =	stream.indirect.gather [hbm4b:s9+s15], $0x40, s23, s15, $0xb8;
	[tilespmem:$0x17D00] =	vst v63  }
0x35: {  	p0 =	sne.s32 s22, $0x13800;
	_ =	swait.ge [sflag:s18], $0x2000  }
0x36: {  	[sflag:s18] =	ssyncset.done $0x0  }
0x37: {  	s22 =	sadd.s32 $0x4F80, s21;
	[sflag:s18] =	ssyncadd.s32 $0xFFFFE000  }
0x38: {  	[spmem:s2] =	stream.indirect.scatter.add.f32 [tilespmem:s16], [sflag:$0x3], $0x40, s22, s15, $0xb8;
	[tilespmem:$0x17D00] =	vst v63  }
0x39: {  	_ =	swait.ge [sflag:s10], $0x2000  }
0x3a: {  	[sflag:s10] =	ssyncset.done $0x0  }
0x3b: {  	s22 =	sadd.s32 $0x100, s21;
	[sflag:s10] =	ssyncadd.s32 $0xFFFFE000  }
0x3c: {  	[tilespmem:s16], [sflag:$0x1] =	stream.indirect.gather [hbm4b:s9+s15], $0x40, s22, s15, $0xb8;
	[tilespmem:$0x17D00] =	vst v63  }
0x3d: {  	_ =	swait.ge [sflag:s19], $0x2000  }
.Ltmp0:
0x3e: {  	[sflag:s19] =	ssyncset.done $0x0;
	(pc) =	sbr.rel @p0 .LBB2_2-.Ltmp0, $4  }
0x3f: {  	s21 =	sadd.s32 $0x5000, s21;
	[sflag:s19] =	ssyncadd.s32 $0xFFFFE000  }
0x40: {  	[spmem:s2] =	stream.indirect.scatter.add.f32 [tilespmem:s17], [sflag:$0x3], $0x40, s21, s15, $0xb8;
	[tilespmem:$0x17D00] =	vst v63  }
0x41: {  	_ =	swait.ge [sflag:s10], $0x2000  }
0x42: {  	s22 =	smov.u32 s25;
	s21 =	sshra.s32 s24, $0x2;
	[sflag:s10] =	ssyncset.done $0x0  }
0x43: {  	s22 =	sadd.s32 $0x80, s21;
	[sflag:s10] =	ssyncadd.s32 $0xFFFFE000  }
0x44: {  	[tilespmem:s17], [sflag:$0x2] =	stream.indirect.gather [hbm4b:s9+s15], $0x40, s22, s15, $0xb8;
	[tilespmem:$0x17D00] =	vst v63  }
0x45: {  	_ =	swait.ge [sflag:s18], $0x2000  }
0x46: {  	[sflag:s18] =	ssyncset.done $0x0  }
0x47: {  	s29 =	sadd.s32 $0x4F80, s21;
	[sflag:s18] =	ssyncadd.s32 $0xFFFFE000  }
0x48: {  	[spmem:s2] =	stream.indirect.scatter.add.f32 [tilespmem:s16], [sflag:$0x3], $0x40, s29, s15, $0xb8;
	[tilespmem:$0x17D00] =	vst v63  }
0x49: {  	_ =	swait.ge [sflag:s10], $0x2000  }
0x4a: {  	[sflag:s10] =	ssyncset.done $0x0  }
0x4b: {  	s30 =	sadd.s32 $0x100, s21;
	[sflag:s10] =	ssyncadd.s32 $0xFFFFE000  }
0x4c: {  	[tilespmem:s16], [sflag:$0x1] =	stream.indirect.gather [hbm4b:s9+s15], $0x40, s30, s15, $0xb8;
	[tilespmem:$0x17D00] =	vst v63  }
0x4d: {  	_ =	swait.ge [sflag:s19], $0x2000  }
0x4e: {  	[sflag:s19] =	ssyncset.done $0x0  }
0x4f: {  	s31 =	sadd.s32 $0x5000, s21;
	[sflag:s19] =	ssyncadd.s32 $0xFFFFE000  }
0x50: {  	[spmem:s2] =	stream.indirect.scatter.add.f32 [tilespmem:s17], [sflag:$0x3], $0x40, s31, s15, $0xb8;
	[tilespmem:$0x17D00] =	vst v63  }
0x51: {  	_ =	swait.ge [sflag:s10], $0x2000  }
0x52: {  	[sflag:s10] =	ssyncset.done $0x0  }
0x53: {  	[sflag:s10] =	ssyncadd.s32 $0xFFFFE000  }
0x54: {  	_ =	swait.ge [sflag:s18], $0x2000  }
0x55: {  	s20 =	sadd.s32 $0x1, s20;
	[sflag:s18] =	ssyncset.done $0x0  }
0x56: {  	p0 =	sne.s32 s20, s8;
	[sflag:s18] =	ssyncadd.s32 $0xFFFFE000  }
.Ltmp1:
0x57: {  	[bflag:$0x0] =	sbarrier.arrive $0xFFFF;
	(pc) =	sbr.rel @p0 .LBB2_1-.Ltmp1, $4  }
0x58: {  	[hbm:s7], [sflag:s13] =	dma.local [spmem:s14], $0x13C0  }
0x59: {  	_ =	swait.ge [sflag:s10], $0x13C0  }
0x5a: {  	[sflag:s10] =	ssyncset.done $0x0  }
0x5b: {  	[sflag:s10] =	ssyncadd.s32 $0xFFFFEC40  }
0x5c: {  	_ =	sfence.sel $0x180000  }
0x5d: {  	[bflag:$0x0] =	sbarrier.arrive $0xFFFF  }
0x5e: {  	p0 =	sne.s32 s0, $0x0;
	_ =	strace $0x9000004A  }
0x5f: {  	s0 =	sadd.s32 @!p0 $0x100000, s1;
	[bflag:$0x2] =	sbarrier.arrive $0xFFFF  }
0x60: {  	[sflag:s0] =	ssyncadd.tile.s32 @!p0 $0x1;
	_ =	shalt  }
.Lfunc_end2:
_tile_overlayer_lowered:
.L_overlay_start_2:
0x61: {  	(tag) =	ssettag $0x2  }
0x62: {  	s0 =	rddreg [dreg:$0x0];
	s2 =	stileid.u32  }
0x63: {  	s1 =	rddreg [dreg:$0x1];
	p0 =	sne.s32 s2, $0x0  }
0x64: {  	s3 =	rddreg [dreg:$0x2];
	[bflag:$0x3] =	sbarrier.arrive $0xFFFF;
	s2 =	simm.s32 @!p0 $0x1C03  }
0x65: {  	[timem:s3], [sflag:s2] =	dma.local @!p0 [hbm:s0], s1  }
0x66: {  	s0 =	simm.s32 @!p0 $0x3  }
0x67: {  	_ =	swait.ge @!p0 [sflag:s0], s1  }
0x68: {  	s1 =	ssub.s32 @!p0 $0x0, s1;
	[sflag:s0] =	ssyncset.done @!p0 $0x0  }
0x69: {  	[sflag:s0] =	ssyncadd.s32 @!p0 s1  }
0x6a: {  	[bflag:$0x3] =	sbarrier.arrive $0xFFFF  }
0x6b: {  	_ =	shalt  }

</sc_bundles>
